<compile_context>
chip_gen: v7x
topology: tpu7x:2x2x1
jax: 0.10.2.dev20260603
libtpu: 0.0.44.dev20260713+nightly
codegen_flags: <defaults>
</compile_context>

<pallas_src>
import functools

import jax
import jax.numpy as jnp
from jax import lax
from jax.experimental import pallas as pl
from jax.experimental.pallas import tpu as pltpu
from jax.experimental.pallas import tpu_sc as plsc

_BATCH = 64
_NPOS = 576
_DIM = 768
_NC = 2
_NS = 16
_NW = _NC * _NS
_PW = _NPOS // _NW
_BLK = _PW * _DIM
_L = 16
_NCH = _BLK // _L
_IMG = _NPOS * _DIM
_GB = 2
_NGRP = _BATCH // _GB
_NBUF = 2

_mesh = plsc.VectorSubcoreMesh(
    core_axis_name="c", subcore_axis_name="s", num_cores=_NC)


@functools.partial(
    pl.kernel,
    out_type=jax.ShapeDtypeStruct((_BATCH, _IMG), jnp.float32),
    mesh=_mesh,
    scratch_types=[
        pltpu.VMEM((_BLK,), jnp.float32),
        [pltpu.VMEM((_GB, _BLK), jnp.float32) for _ in range(_NBUF)],
        [pltpu.VMEM((_GB, _BLK), jnp.float32) for _ in range(_NBUF)],
        [pltpu.SemaphoreType.DMA for _ in range(_NBUF)],
        [pltpu.SemaphoreType.DMA for _ in range(_NBUF)],
    ],
)
def _pos_add(patches_hbm, pos_hbm, out_hbm, pos_v, ibufs, obufs, isems, osems):
    wid = lax.axis_index("s") * _NC + lax.axis_index("c")
    base = wid * _BLK
    pos_copy = pltpu.async_copy(
        pos_hbm.at[pl.ds(base, _BLK)], pos_v, osems[0])

    def start_in(g, j):
        pltpu.async_copy(
            patches_hbm.at[pl.ds(g * _GB, _GB), pl.ds(base, _BLK)],
            ibufs[j], isems[j])

    for j in range(_NBUF):
        start_in(j, j)
    pos_copy.wait()

    @pl.loop(0, _NGRP, step=_NBUF)
    def _group(g0):
        for j in range(_NBUF):
            g = g0 + j
            rows = pl.ds(g * _GB, _GB)
            cols = pl.ds(base, _BLK)
            pltpu.make_async_copy(
                patches_hbm.at[rows, cols], ibufs[j], isems[j]).wait()

            @pl.when(g >= _NBUF)
            def _():
                pltpu.make_async_copy(
                    obufs[j], out_hbm.at[rows, cols], osems[j]).wait()

            for b2 in range(_GB):
                @plsc.parallel_loop(0, _NCH, unroll=16)
                def _chunk(i):
                    sl = pl.ds(i * _L, _L)
                    obufs[j].at[b2][sl] = ibufs[j].at[b2][sl] + pos_v[sl]

            pltpu.async_copy(obufs[j], out_hbm.at[rows, cols], osems[j])

            @pl.when(g + _NBUF < _NGRP)
            def _():
                start_in(g + _NBUF, j)

    for j in range(_NBUF):
        pltpu.make_async_copy(
            obufs[j], out_hbm.at[pl.ds(0, _GB), pl.ds(0, _BLK)],
            osems[j]).wait()


def kernel(patches, pos_table):
    out = _pos_add(patches.reshape(_BATCH, _IMG), pos_table.reshape(-1))
    return out.reshape(_BATCH, _NPOS, _DIM)

# --- scband reference (transcript-rebuilt; emitter-appended) ---
"""Pipeline reference for scband-positional-embedding-25417616458208 (READ-ONLY COPY).

The authoritative reference and input builder live on the scoring server;
editing this copy changes nothing except your own understanding.
"""

import jax, jax.numpy as jnp
import numpy as np

N_PATCHES = 576
MODEL_DIM = 768
BATCH = 64

def setup_inputs(seed: int = 0) -> dict:
    key = jax.random.key(seed)
    k1, k2 = jax.random.split(key)
    patches = jax.random.normal(k1, (BATCH, N_PATCHES, MODEL_DIM), dtype=jnp.float32)
    # nn.Embedding default init: N(0, 1)
    pos_table = jax.random.normal(k2, (N_PATCHES, MODEL_DIM), dtype=jnp.float32)
    return {"patches": patches, "pos_table": pos_table}

def reference(patches, pos_table):
    positions = jnp.arange(0, N_PATCHES, dtype=jnp.int32)
    position_embeddings = jnp.take(pos_table, positions, axis=0)
    return patches + position_embeddings[None, :, :]

if __name__ == "__main__":
    import jax
    _d = setup_inputs()
    print(jax.jit(kernel)(*tuple(_d.values())))

</pallas_src>

<mosaic_0001>
#map = affine_map<(d0, d1) -> (0, 0)>
#map1 = affine_map<(d0, d1) -> (0)>
module attributes {stable_mosaic.version = 14 : i64} {
  func.func @_pos_add(%arg0: i32, %arg1: i32, %arg2: memref<64x442368xf32, #tpu.memory_space<hbm>>, %arg3: memref<442368xf32, #tpu.memory_space<hbm>>, %arg4: memref<64x442368xf32, #tpu.memory_space<hbm>>, %arg5: memref<13824xf32, #tpu.memory_space<vmem>>, %arg6: memref<2x13824xf32, #tpu.memory_space<vmem>>, %arg7: memref<2x13824xf32, #tpu.memory_space<vmem>>, %arg8: memref<2x13824xf32, #tpu.memory_space<vmem>>, %arg9: memref<2x13824xf32, #tpu.memory_space<vmem>>, %arg10: memref<!tpu.dma_semaphore, #tpu.memory_space<semaphore_mem>>, %arg11: memref<!tpu.dma_semaphore, #tpu.memory_space<semaphore_mem>>, %arg12: memref<!tpu.dma_semaphore, #tpu.memory_space<semaphore_mem>>, %arg13: memref<!tpu.dma_semaphore, #tpu.memory_space<semaphore_mem>>) attributes {dimension_semantics = [#tpu.dimension_semantics<core_parallel>, #tpu.dimension_semantics<subcore_parallel>], iteration_bounds = array<i64: 2, 16>, scalar_prefetch = 0 : i64, scratch_operands = 9 : i64, tpu.core_type = #tpu.core_type<sc_vector_subcore>, window_params = [{transform_indices = #map}, {transform_indices = #map1}, {transform_indices = #map}]} {
    %mul3A = arith.constant 2 : i32
    %mul3A_0 = arith.muli %arg1, %mul3A : i32
    %add3A = arith.addi %mul3A_0, %arg0 : i32
    %mul3A_1 = arith.constant 13824 : i32
    %mul3A_2 = arith.muli %add3A, %mul3A_1 : i32
    %dma_start3A = tpu.memref_slice %arg3[%mul3A_2] : memref<442368xf32, #tpu.memory_space<hbm>> -> memref<13824xf32, #tpu.memory_space<hbm>>
    %dma_start3A_3 = tpu.memref_slice %arg3[%mul3A_2] : memref<442368xf32, #tpu.memory_space<hbm>> -> memref<13824xf32, #tpu.memory_space<hbm>>
    tpu.enqueue_dma source(%dma_start3A_3 : memref<13824xf32, #tpu.memory_space<hbm>>) target(%arg5 : memref<13824xf32, #tpu.memory_space<vmem>>) target_semaphore(%arg12 : memref<!tpu.dma_semaphore, #tpu.memory_space<semaphore_mem>>)
    %dma_start3A_4 = arith.constant 0 : i32
    %dma_start3A_5 = tpu.memref_slice %arg2[%dma_start3A_4, %mul3A_2] : memref<64x442368xf32, #tpu.memory_space<hbm>> -> memref<2x13824xf32, #tpu.memory_space<hbm>>
    %dma_start3A_6 = arith.constant 0 : i32
    %dma_start3A_7 = tpu.memref_slice %arg2[%dma_start3A_6, %mul3A_2] : memref<64x442368xf32, #tpu.memory_space<hbm>> -> memref<2x13824xf32, #tpu.memory_space<hbm>>
    tpu.enqueue_dma source(%dma_start3A_7 : memref<2x13824xf32, #tpu.memory_space<hbm>>) target(%arg6 : memref<2x13824xf32, #tpu.memory_space<vmem>>) target_semaphore(%arg10 : memref<!tpu.dma_semaphore, #tpu.memory_space<semaphore_mem>>)
    %dma_start3A_8 = arith.constant 2 : i32
    %dma_start3A_9 = tpu.memref_slice %arg2[%dma_start3A_8, %mul3A_2] : memref<64x442368xf32, #tpu.memory_space<hbm>> -> memref<2x13824xf32, #tpu.memory_space<hbm>>
    %dma_start3A_10 = arith.constant 2 : i32
    %dma_start3A_11 = tpu.memref_slice %arg2[%dma_start3A_10, %mul3A_2] : memref<64x442368xf32, #tpu.memory_space<hbm>> -> memref<2x13824xf32, #tpu.memory_space<hbm>>
    tpu.enqueue_dma source(%dma_start3A_11 : memref<2x13824xf32, #tpu.memory_space<hbm>>) target(%arg7 : memref<2x13824xf32, #tpu.memory_space<vmem>>) target_semaphore(%arg11 : memref<!tpu.dma_semaphore, #tpu.memory_space<semaphore_mem>>)
    %dma_wait3A = tpu.memref_slice %arg3[%mul3A_2] : memref<442368xf32, #tpu.memory_space<hbm>> -> memref<13824xf32, #tpu.memory_space<hbm>>
    %dma_wait3A_12 = tpu.memref_slice %arg3[%mul3A_2] : memref<442368xf32, #tpu.memory_space<hbm>> -> memref<13824xf32, #tpu.memory_space<hbm>>
    tpu.wait_dma2 semaphore(%arg12 : memref<!tpu.dma_semaphore, #tpu.memory_space<semaphore_mem>>) src(%dma_wait3A_12 : memref<13824xf32, #tpu.memory_space<hbm>>) dst(%arg5 : memref<13824xf32, #tpu.memory_space<vmem>>)
    %scan3A = arith.constant 0 : i32
    %scan3A_13 = arith.constant 16 : i32
    %scan3A_14 = arith.addi %scan3A, %scan3A_13 : i32
    %scan3A_15 = arith.constant 1 : i32
    scf.for %scan3A_29 = %scan3A to %scan3A_14 step %scan3A_15  : i32 {
      %mul3A_30 = arith.constant 2 : i32
      %mul3A_31 = arith.muli %scan3A_29, %mul3A_30 : i32
      %add3A_32 = arith.constant 0 : i32
      %add3A_33 = arith.addi %add3A_32, %mul3A_31 : i32
      %add3A_34 = arith.constant 0 : i32
      %add3A_35 = arith.addi %add3A_33, %add3A_34 : i32
      %mul3A_36 = arith.constant 2 : i32
      %mul3A_37 = arith.muli %add3A_35, %mul3A_36 : i32
      %dma_wait3A_38 = tpu.memref_slice %arg2[%mul3A_37, %mul3A_2] : memref<64x442368xf32, #tpu.memory_space<hbm>> -> memref<2x13824xf32, #tpu.memory_space<hbm>>
      %dma_wait3A_39 = tpu.memref_slice %arg2[%mul3A_37, %mul3A_2] : memref<64x442368xf32, #tpu.memory_space<hbm>> -> memref<2x13824xf32, #tpu.memory_space<hbm>>
      tpu.wait_dma2 semaphore(%arg10 : memref<!tpu.dma_semaphore, #tpu.memory_space<semaphore_mem>>) src(%dma_wait3A_39 : memref<2x13824xf32, #tpu.memory_space<hbm>>) dst(%arg6 : memref<2x13824xf32, #tpu.memory_space<vmem>>)
      %ge3A = arith.constant 2 : i32
      %ge3A_40 = arith.cmpi sge, %add3A_35, %ge3A : i32
      %convert_element_type3A = arith.extui %ge3A_40 : i1 to i32
      %cond3A = arith.constant 0 : i32
      %cond3A_41 = arith.cmpi ne, %convert_element_type3A, %cond3A : i32
      scf.if %cond3A_41 {
        %dma_wait3A_81 = tpu.memref_slice %arg4[%mul3A_37, %mul3A_2] : memref<64x442368xf32, #tpu.memory_space<hbm>> -> memref<2x13824xf32, #tpu.memory_space<hbm>>
        %dma_wait3A_82 = tpu.memref_slice %arg4[%mul3A_37, %mul3A_2] : memref<64x442368xf32, #tpu.memory_space<hbm>> -> memref<2x13824xf32, #tpu.memory_space<hbm>>
        tpu.wait_dma2 semaphore(%arg12 : memref<!tpu.dma_semaphore, #tpu.memory_space<semaphore_mem>>) src(%arg8 : memref<2x13824xf32, #tpu.memory_space<vmem>>) dst(%dma_wait3A_82 : memref<2x13824xf32, #tpu.memory_space<hbm>>)
      } else {
      }
      %parallel_loop3A = arith.constant 0 : i32
      %parallel_loop3A_42 = arith.constant 864 : i32
      %parallel_loop3A_43 = arith.constant 1 : i32
      scf.for %parallel_loop3A_81 = %parallel_loop3A to %parallel_loop3A_42 step %parallel_loop3A_43  : i32 {
        %parallel_loop3A_82 = arith.constant 16 : i32
        %parallel_loop3A_83 = arith.muli %parallel_loop3A_81, %parallel_loop3A_82 : i32
        %parallel_loop3A_84 = arith.constant 0 : i32
        %parallel_loop3A_85 = arith.constant 0 : i32
        %parallel_loop3A_86 = tpu.memref_slice %arg6[%parallel_loop3A_84, %parallel_loop3A_85] : memref<2x13824xf32, #tpu.memory_space<vmem>> -> memref<1x13824xf32, #tpu.memory_space<vmem>>
        %parallel_loop3A_87 = tpu.memref_squeeze %parallel_loop3A_86 : memref<1x13824xf32, #tpu.memory_space<vmem>> -> memref<13824xf32, #tpu.memory_space<vmem>>
        %parallel_loop3A_88 = arith.index_cast %parallel_loop3A_83 : i32 to index
        %parallel_loop3A_89 = tpu.vector_load %parallel_loop3A_87[%parallel_loop3A_88] {strides = array<i32>} : memref<13824xf32, #tpu.memory_space<vmem>>, vector<16xf32>,
        %parallel_loop3A_90 = vector.shape_cast %parallel_loop3A_89 : vector<16xf32> to vector<16xf32>
        %parallel_loop3A_91 = arith.index_cast %parallel_loop3A_83 : i32 to index
        %parallel_loop3A_92 = tpu.vector_load %arg5[%parallel_loop3A_91] {strides = array<i32>} : memref<13824xf32, #tpu.memory_space<vmem>>, vector<16xf32>,
        %parallel_loop3A_93 = vector.shape_cast %parallel_loop3A_92 : vector<16xf32> to vector<16xf32>
        %parallel_loop3A_94 = arith.addf %parallel_loop3A_90, %parallel_loop3A_93 : vector<16xf32>
        %parallel_loop3A_95 = arith.constant 0 : i32
        %parallel_loop3A_96 = arith.constant 0 : i32
        %parallel_loop3A_97 = tpu.memref_slice %arg8[%parallel_loop3A_95, %parallel_loop3A_96] : memref<2x13824xf32, #tpu.memory_space<vmem>> -> memref<1x13824xf32, #tpu.memory_space<vmem>>
        %parallel_loop3A_98 = tpu.memref_squeeze %parallel_loop3A_97 : memref<1x13824xf32, #tpu.memory_space<vmem>> -> memref<13824xf32, #tpu.memory_space<vmem>>
        %parallel_loop3A_99 = arith.index_cast %parallel_loop3A_83 : i32 to index
        %parallel_loop3A_100 = tpu.vector_load %parallel_loop3A_98[%parallel_loop3A_99] {strides = array<i32>} : memref<13824xf32, #tpu.memory_space<vmem>>, vector<16xf32>,
        %parallel_loop3A_101 = vector.shape_cast %parallel_loop3A_100 : vector<16xf32> to vector<16xf32>
        %parallel_loop3A_102 = vector.shape_cast %parallel_loop3A_94 : vector<16xf32> to vector<16xf32>
        tpu.vector_store %parallel_loop3A_98[%parallel_loop3A_99], %parallel_loop3A_102 {strides = array<i32>} : memref<13824xf32, #tpu.memory_space<vmem>>, vector<16xf32>,
      } {sc.loop_unroll_factor = 16 : i64, sc.parallel_access}
      %parallel_loop3A_44 = arith.constant 0 : i32
      %parallel_loop3A_45 = arith.constant 864 : i32
      %parallel_loop3A_46 = arith.constant 1 : i32
      scf.for %parallel_loop3A_81 = %parallel_loop3A_44 to %parallel_loop3A_45 step %parallel_loop3A_46  : i32 {
        %parallel_loop3A_82 = arith.constant 16 : i32
        %parallel_loop3A_83 = arith.muli %parallel_loop3A_81, %parallel_loop3A_82 : i32
        %parallel_loop3A_84 = arith.constant 1 : i32
        %parallel_loop3A_85 = arith.constant 0 : i32
        %parallel_loop3A_86 = tpu.memref_slice %arg6[%parallel_loop3A_84, %parallel_loop3A_85] : memref<2x13824xf32, #tpu.memory_space<vmem>> -> memref<1x13824xf32, #tpu.memory_space<vmem>>
        %parallel_loop3A_87 = tpu.memref_squeeze %parallel_loop3A_86 : memref<1x13824xf32, #tpu.memory_space<vmem>> -> memref<13824xf32, #tpu.memory_space<vmem>>
        %parallel_loop3A_88 = arith.index_cast %parallel_loop3A_83 : i32 to index
        %parallel_loop3A_89 = tpu.vector_load %parallel_loop3A_87[%parallel_loop3A_88] {strides = array<i32>} : memref<13824xf32, #tpu.memory_space<vmem>>, vector<16xf32>,
        %parallel_loop3A_90 = vector.shape_cast %parallel_loop3A_89 : vector<16xf32> to vector<16xf32>
        %parallel_loop3A_91 = arith.index_cast %parallel_loop3A_83 : i32 to index
        %parallel_loop3A_92 = tpu.vector_load %arg5[%parallel_loop3A_91] {strides = array<i32>} : memref<13824xf32, #tpu.memory_space<vmem>>, vector<16xf32>,
        %parallel_loop3A_93 = vector.shape_cast %parallel_loop3A_92 : vector<16xf32> to vector<16xf32>
        %parallel_loop3A_94 = arith.addf %parallel_loop3A_90, %parallel_loop3A_93 : vector<16xf32>
        %parallel_loop3A_95 = arith.constant 1 : i32
        %parallel_loop3A_96 = arith.constant 0 : i32
        %parallel_loop3A_97 = tpu.memref_slice %arg8[%parallel_loop3A_95, %parallel_loop3A_96] : memref<2x13824xf32, #tpu.memory_space<vmem>> -> memref<1x13824xf32, #tpu.memory_space<vmem>>
        %parallel_loop3A_98 = tpu.memref_squeeze %parallel_loop3A_97 : memref<1x13824xf32, #tpu.memory_space<vmem>> -> memref<13824xf32, #tpu.memory_space<vmem>>
        %parallel_loop3A_99 = arith.index_cast %parallel_loop3A_83 : i32 to index
        %parallel_loop3A_100 = tpu.vector_load %parallel_loop3A_98[%parallel_loop3A_99] {strides = array<i32>} : memref<13824xf32, #tpu.memory_space<vmem>>, vector<16xf32>,
        %parallel_loop3A_101 = vector.shape_cast %parallel_loop3A_100 : vector<16xf32> to vector<16xf32>
        %parallel_loop3A_102 = vector.shape_cast %parallel_loop3A_94 : vector<16xf32> to vector<16xf32>
        tpu.vector_store %parallel_loop3A_98[%parallel_loop3A_99], %parallel_loop3A_102 {strides = array<i32>} : memref<13824xf32, #tpu.memory_space<vmem>>, vector<16xf32>,
      } {sc.loop_unroll_factor = 16 : i64, sc.parallel_access}
      %dma_start3A_47 = tpu.memref_slice %arg4[%mul3A_37, %mul3A_2] : memref<64x442368xf32, #tpu.memory_space<hbm>> -> memref<2x13824xf32, #tpu.memory_space<hbm>>
      %dma_start3A_48 = tpu.memref_slice %arg4[%mul3A_37, %mul3A_2] : memref<64x442368xf32, #tpu.memory_space<hbm>> -> memref<2x13824xf32, #tpu.memory_space<hbm>>
      tpu.enqueue_dma source(%arg8 : memref<2x13824xf32, #tpu.memory_space<vmem>>) target(%dma_start3A_48 : memref<2x13824xf32, #tpu.memory_space<hbm>>) target_semaphore(%arg12 : memref<!tpu.dma_semaphore, #tpu.memory_space<semaphore_mem>>)
      %add3A_49 = arith.constant 2 : i32
      %add3A_50 = arith.addi %add3A_35, %add3A_49 : i32
      %lt3A = arith.constant 32 : i32
      %lt3A_51 = arith.cmpi slt, %add3A_50, %lt3A : i32
      %convert_element_type3A_52 = arith.extui %lt3A_51 : i1 to i32
      %cond3A_53 = arith.constant 0 : i32
      %cond3A_54 = arith.cmpi ne, %convert_element_type3A_52, %cond3A_53 : i32
      scf.if %cond3A_54 {
        %add3A_81 = arith.constant 2 : i32
        %add3A_82 = arith.addi %add3A_35, %add3A_81 : i32
        %mul3A_83 = arith.constant 2 : i32
        %mul3A_84 = arith.muli %add3A_82, %mul3A_83 : i32
        %dma_start3A_85 = tpu.memref_slice %arg2[%mul3A_84, %mul3A_2] : memref<64x442368xf32, #tpu.memory_space<hbm>> -> memref<2x13824xf32, #tpu.memory_space<hbm>>
        %dma_start3A_86 = tpu.memref_slice %arg2[%mul3A_84, %mul3A_2] : memref<64x442368xf32, #tpu.memory_space<hbm>> -> memref<2x13824xf32, #tpu.memory_space<hbm>>
        tpu.enqueue_dma source(%dma_start3A_86 : memref<2x13824xf32, #tpu.memory_space<hbm>>) target(%arg6 : memref<2x13824xf32, #tpu.memory_space<vmem>>) target_semaphore(%arg10 : memref<!tpu.dma_semaphore, #tpu.memory_space<semaphore_mem>>)
      } else {
      }
      %add3A_55 = arith.constant 1 : i32
      %add3A_56 = arith.addi %add3A_33, %add3A_55 : i32
      %mul3A_57 = arith.constant 2 : i32
      %mul3A_58 = arith.muli %add3A_56, %mul3A_57 : i32
      %dma_wait3A_59 = tpu.memref_slice %arg2[%mul3A_58, %mul3A_2] : memref<64x442368xf32, #tpu.memory_space<hbm>> -> memref<2x13824xf32, #tpu.memory_space<hbm>>
      %dma_wait3A_60 = tpu.memref_slice %arg2[%mul3A_58, %mul3A_2] : memref<64x442368xf32, #tpu.memory_space<hbm>> -> memref<2x13824xf32, #tpu.memory_space<hbm>>
      tpu.wait_dma2 semaphore(%arg11 : memref<!tpu.dma_semaphore, #tpu.memory_space<semaphore_mem>>) src(%dma_wait3A_60 : memref<2x13824xf32, #tpu.memory_space<hbm>>) dst(%arg7 : memref<2x13824xf32, #tpu.memory_space<vmem>>)
      %ge3A_61 = arith.constant 2 : i32
      %ge3A_62 = arith.cmpi sge, %add3A_56, %ge3A_61 : i32
      %convert_element_type3A_63 = arith.extui %ge3A_62 : i1 to i32
      %cond3A_64 = arith.constant 0 : i32
      %cond3A_65 = arith.cmpi ne, %convert_element_type3A_63, %cond3A_64 : i32
      scf.if %cond3A_65 {
        %dma_wait3A_81 = tpu.memref_slice %arg4[%mul3A_58, %mul3A_2] : memref<64x442368xf32, #tpu.memory_space<hbm>> -> memref<2x13824xf32, #tpu.memory_space<hbm>>
        %dma_wait3A_82 = tpu.memref_slice %arg4[%mul3A_58, %mul3A_2] : memref<64x442368xf32, #tpu.memory_space<hbm>> -> memref<2x13824xf32, #tpu.memory_space<hbm>>
        tpu.wait_dma2 semaphore(%arg13 : memref<!tpu.dma_semaphore, #tpu.memory_space<semaphore_mem>>) src(%arg9 : memref<2x13824xf32, #tpu.memory_space<vmem>>) dst(%dma_wait3A_82 : memref<2x13824xf32, #tpu.memory_space<hbm>>)
      } else {
      }
      %parallel_loop3A_66 = arith.constant 0 : i32
      %parallel_loop3A_67 = arith.constant 864 : i32
      %parallel_loop3A_68 = arith.constant 1 : i32
      scf.for %parallel_loop3A_81 = %parallel_loop3A_66 to %parallel_loop3A_67 step %parallel_loop3A_68  : i32 {
        %parallel_loop3A_82 = arith.constant 16 : i32
        %parallel_loop3A_83 = arith.muli %parallel_loop3A_81, %parallel_loop3A_82 : i32
        %parallel_loop3A_84 = arith.constant 0 : i32
        %parallel_loop3A_85 = arith.constant 0 : i32
        %parallel_loop3A_86 = tpu.memref_slice %arg7[%parallel_loop3A_84, %parallel_loop3A_85] : memref<2x13824xf32, #tpu.memory_space<vmem>> -> memref<1x13824xf32, #tpu.memory_space<vmem>>
        %parallel_loop3A_87 = tpu.memref_squeeze %parallel_loop3A_86 : memref<1x13824xf32, #tpu.memory_space<vmem>> -> memref<13824xf32, #tpu.memory_space<vmem>>
        %parallel_loop3A_88 = arith.index_cast %parallel_loop3A_83 : i32 to index
        %parallel_loop3A_89 = tpu.vector_load %parallel_loop3A_87[%parallel_loop3A_88] {strides = array<i32>} : memref<13824xf32, #tpu.memory_space<vmem>>, vector<16xf32>,
        %parallel_loop3A_90 = vector.shape_cast %parallel_loop3A_89 : vector<16xf32> to vector<16xf32>
        %parallel_loop3A_91 = arith.index_cast %parallel_loop3A_83 : i32 to index
        %parallel_loop3A_92 = tpu.vector_load %arg5[%parallel_loop3A_91] {strides = array<i32>} : memref<13824xf32, #tpu.memory_space<vmem>>, vector<16xf32>,
        %parallel_loop3A_93 = vector.shape_cast %parallel_loop3A_92 : vector<16xf32> to vector<16xf32>
        %parallel_loop3A_94 = arith.addf %parallel_loop3A_90, %parallel_loop3A_93 : vector<16xf32>
        %parallel_loop3A_95 = arith.constant 0 : i32
        %parallel_loop3A_96 = arith.constant 0 : i32
        %parallel_loop3A_97 = tpu.memref_slice %arg9[%parallel_loop3A_95, %parallel_loop3A_96] : memref<2x13824xf32, #tpu.memory_space<vmem>> -> memref<1x13824xf32, #tpu.memory_space<vmem>>
        %parallel_loop3A_98 = tpu.memref_squeeze %parallel_loop3A_97 : memref<1x13824xf32, #tpu.memory_space<vmem>> -> memref<13824xf32, #tpu.memory_space<vmem>>
        %parallel_loop3A_99 = arith.index_cast %parallel_loop3A_83 : i32 to index
        %parallel_loop3A_100 = tpu.vector_load %parallel_loop3A_98[%parallel_loop3A_99] {strides = array<i32>} : memref<13824xf32, #tpu.memory_space<vmem>>, vector<16xf32>,
        %parallel_loop3A_101 = vector.shape_cast %parallel_loop3A_100 : vector<16xf32> to vector<16xf32>
        %parallel_loop3A_102 = vector.shape_cast %parallel_loop3A_94 : vector<16xf32> to vector<16xf32>
        tpu.vector_store %parallel_loop3A_98[%parallel_loop3A_99], %parallel_loop3A_102 {strides = array<i32>} : memref<13824xf32, #tpu.memory_space<vmem>>, vector<16xf32>,
      } {sc.loop_unroll_factor = 16 : i64, sc.parallel_access}
      %parallel_loop3A_69 = arith.constant 0 : i32
      %parallel_loop3A_70 = arith.constant 864 : i32
      %parallel_loop3A_71 = arith.constant 1 : i32
      scf.for %parallel_loop3A_81 = %parallel_loop3A_69 to %parallel_loop3A_70 step %parallel_loop3A_71  : i32 {
        %parallel_loop3A_82 = arith.constant 16 : i32
        %parallel_loop3A_83 = arith.muli %parallel_loop3A_81, %parallel_loop3A_82 : i32
        %parallel_loop3A_84 = arith.constant 1 : i32
        %parallel_loop3A_85 = arith.constant 0 : i32
        %parallel_loop3A_86 = tpu.memref_slice %arg7[%parallel_loop3A_84, %parallel_loop3A_85] : memref<2x13824xf32, #tpu.memory_space<vmem>> -> memref<1x13824xf32, #tpu.memory_space<vmem>>
        %parallel_loop3A_87 = tpu.memref_squeeze %parallel_loop3A_86 : memref<1x13824xf32, #tpu.memory_space<vmem>> -> memref<13824xf32, #tpu.memory_space<vmem>>
        %parallel_loop3A_88 = arith.index_cast %parallel_loop3A_83 : i32 to index
        %parallel_loop3A_89 = tpu.vector_load %parallel_loop3A_87[%parallel_loop3A_88] {strides = array<i32>} : memref<13824xf32, #tpu.memory_space<vmem>>, vector<16xf32>,
        %parallel_loop3A_90 = vector.shape_cast %parallel_loop3A_89 : vector<16xf32> to vector<16xf32>
        %parallel_loop3A_91 = arith.index_cast %parallel_loop3A_83 : i32 to index
        %parallel_loop3A_92 = tpu.vector_load %arg5[%parallel_loop3A_91] {strides = array<i32>} : memref<13824xf32, #tpu.memory_space<vmem>>, vector<16xf32>,
        %parallel_loop3A_93 = vector.shape_cast %parallel_loop3A_92 : vector<16xf32> to vector<16xf32>
        %parallel_loop3A_94 = arith.addf %parallel_loop3A_90, %parallel_loop3A_93 : vector<16xf32>
        %parallel_loop3A_95 = arith.constant 1 : i32
        %parallel_loop3A_96 = arith.constant 0 : i32
        %parallel_loop3A_97 = tpu.memref_slice %arg9[%parallel_loop3A_95, %parallel_loop3A_96] : memref<2x13824xf32, #tpu.memory_space<vmem>> -> memref<1x13824xf32, #tpu.memory_space<vmem>>
        %parallel_loop3A_98 = tpu.memref_squeeze %parallel_loop3A_97 : memref<1x13824xf32, #tpu.memory_space<vmem>> -> memref<13824xf32, #tpu.memory_space<vmem>>
        %parallel_loop3A_99 = arith.index_cast %parallel_loop3A_83 : i32 to index
        %parallel_loop3A_100 = tpu.vector_load %parallel_loop3A_98[%parallel_loop3A_99] {strides = array<i32>} : memref<13824xf32, #tpu.memory_space<vmem>>, vector<16xf32>,
        %parallel_loop3A_101 = vector.shape_cast %parallel_loop3A_100 : vector<16xf32> to vector<16xf32>
        %parallel_loop3A_102 = vector.shape_cast %parallel_loop3A_94 : vector<16xf32> to vector<16xf32>
        tpu.vector_store %parallel_loop3A_98[%parallel_loop3A_99], %parallel_loop3A_102 {strides = array<i32>} : memref<13824xf32, #tpu.memory_space<vmem>>, vector<16xf32>,
      } {sc.loop_unroll_factor = 16 : i64, sc.parallel_access}
      %dma_start3A_72 = tpu.memref_slice %arg4[%mul3A_58, %mul3A_2] : memref<64x442368xf32, #tpu.memory_space<hbm>> -> memref<2x13824xf32, #tpu.memory_space<hbm>>
      %dma_start3A_73 = tpu.memref_slice %arg4[%mul3A_58, %mul3A_2] : memref<64x442368xf32, #tpu.memory_space<hbm>> -> memref<2x13824xf32, #tpu.memory_space<hbm>>
      tpu.enqueue_dma source(%arg9 : memref<2x13824xf32, #tpu.memory_space<vmem>>) target(%dma_start3A_73 : memref<2x13824xf32, #tpu.memory_space<hbm>>) target_semaphore(%arg13 : memref<!tpu.dma_semaphore, #tpu.memory_space<semaphore_mem>>)
      %add3A_74 = arith.constant 2 : i32
      %add3A_75 = arith.addi %add3A_56, %add3A_74 : i32
      %lt3A_76 = arith.constant 32 : i32
      %lt3A_77 = arith.cmpi slt, %add3A_75, %lt3A_76 : i32
      %convert_element_type3A_78 = arith.extui %lt3A_77 : i1 to i32
      %cond3A_79 = arith.constant 0 : i32
      %cond3A_80 = arith.cmpi ne, %convert_element_type3A_78, %cond3A_79 : i32
      scf.if %cond3A_80 {
        %add3A_81 = arith.constant 2 : i32
        %add3A_82 = arith.addi %add3A_56, %add3A_81 : i32
        %mul3A_83 = arith.constant 2 : i32
        %mul3A_84 = arith.muli %add3A_82, %mul3A_83 : i32
        %dma_start3A_85 = tpu.memref_slice %arg2[%mul3A_84, %mul3A_2] : memref<64x442368xf32, #tpu.memory_space<hbm>> -> memref<2x13824xf32, #tpu.memory_space<hbm>>
        %dma_start3A_86 = tpu.memref_slice %arg2[%mul3A_84, %mul3A_2] : memref<64x442368xf32, #tpu.memory_space<hbm>> -> memref<2x13824xf32, #tpu.memory_space<hbm>>
        tpu.enqueue_dma source(%dma_start3A_86 : memref<2x13824xf32, #tpu.memory_space<hbm>>) target(%arg7 : memref<2x13824xf32, #tpu.memory_space<vmem>>) target_semaphore(%arg11 : memref<!tpu.dma_semaphore, #tpu.memory_space<semaphore_mem>>)
      } else {
      }
    }
    %scan3A_16 = arith.constant 16 : i32
    %dma_wait3A_17 = arith.constant 0 : i32
    %dma_wait3A_18 = arith.constant 0 : i32
    %dma_wait3A_19 = tpu.memref_slice %arg4[%dma_wait3A_17, %dma_wait3A_18] : memref<64x442368xf32, #tpu.memory_space<hbm>> -> memref<2x13824xf32, #tpu.memory_space<hbm>>
    %dma_wait3A_20 = arith.constant 0 : i32
    %dma_wait3A_21 = arith.constant 0 : i32
    %dma_wait3A_22 = tpu.memref_slice %arg4[%dma_wait3A_20, %dma_wait3A_21] : memref<64x442368xf32, #tpu.memory_space<hbm>> -> memref<2x13824xf32, #tpu.memory_space<hbm>>
    tpu.wait_dma2 semaphore(%arg12 : memref<!tpu.dma_semaphore, #tpu.memory_space<semaphore_mem>>) src(%arg8 : memref<2x13824xf32, #tpu.memory_space<vmem>>) dst(%dma_wait3A_22 : memref<2x13824xf32, #tpu.memory_space<hbm>>)
    %dma_wait3A_23 = arith.constant 0 : i32
    %dma_wait3A_24 = arith.constant 0 : i32
    %dma_wait3A_25 = tpu.memref_slice %arg4[%dma_wait3A_23, %dma_wait3A_24] : memref<64x442368xf32, #tpu.memory_space<hbm>> -> memref<2x13824xf32, #tpu.memory_space<hbm>>
    %dma_wait3A_26 = arith.constant 0 : i32
    %dma_wait3A_27 = arith.constant 0 : i32
    %dma_wait3A_28 = tpu.memref_slice %arg4[%dma_wait3A_26, %dma_wait3A_27] : memref<64x442368xf32, #tpu.memory_space<hbm>> -> memref<2x13824xf32, #tpu.memory_space<hbm>>
    tpu.wait_dma2 semaphore(%arg13 : memref<!tpu.dma_semaphore, #tpu.memory_space<semaphore_mem>>) src(%arg9 : memref<2x13824xf32, #tpu.memory_space<vmem>>) dst(%dma_wait3A_28 : memref<2x13824xf32, #tpu.memory_space<hbm>>)
    return
  }
}

</mosaic_0001>

<sc_bundles>
// kernel: kernel.3.cloned.1.call-start
scs
__scs_entry_jumppad:
0x0: {  	(pc) =	sbr.rel $0x88, $3  }
0x1: {  	(tag) =	ssettag $0x0;
	lr =	simm.s32 $0x1  }
0x2: {  	[smem:$0x3F9F] =	sst lr;
	_ =	strace $0xD0000000  }
0x3: {  	_ = 	snop  }
0x4: {  	_ = 	snop  }
0x5: {  	_ = 	snop  }
0x6: {  	_ = 	snop  }
0x7: {  	_ = 	snop  }
__scs_overlays_trampoline_lowered:
0x8: {  	[smem:$0x3FAE] =	sst s0  }
0x9: {  	[smem:$0x3FAF] =	sst s1  }
0xa: {  	[smem:$0x3FB0] =	sst s2  }
0xb: {  	[smem:$0x3FB1] =	sst s3  }
0xc: {  	[smem:$0x3FB2] =	sst s4  }
0xd: {  	[smem:$0x3FB3] =	sst s5  }
0xe: {  	[smem:$0x3FB4] =	sst s6  }
0xf: {  	[smem:$0x3FB5] =	sst s7  }
0x10: {  	[smem:$0x3FB6] =	sst s8  }
0x11: {  	[smem:$0x3FB7] =	sst s9;
	s0 =	simm.s32 @!p0 $0x0  }
0x12: {  	s1 =	sld [smem:$0x3F9D];
	s0 =	simm.s32 @p0 $0x1  }
0x13: {  	[smem:$0x3FB8] =	sst s0;
	s0 =	simm.s32 @!p1 $0x0  }
0x14: {  	s2 =	sld [smem:$0x3F9C];
	s0 =	simm.s32 @p1 $0x1  }
0x15: {  	[smem:$0x3FB9] =	sst s0;
	s0 =	simm.s32 @!p2 $0x0  }
0x16: {  	s3 =	sld [smem:$0x3FDB];
	s0 =	simm.s32 @p2 $0x1  }
0x17: {  	s4 =	simm.s32 $0x1BF5;
	[smem:$0x3FBB] =	sst s0  }
0x18: {  	s0 =	sld [smem:$0x3F9E];
	_ =	swait.ge [sflag:s4], $0x0  }
0x19: {  	s7 =	sld [smem:$0x3F9F]  }
0x1a: {  	s8 =	sadd.s32 $0xFFFFE003, lr  }
0x1b: {  	s9 =	sadd.s32 $0xFFFFFEF7, lr;
	s5 =	simm.s32 $0xFFFFFFFF;
	p2 =	slt.u32 s8, $0xFFFFF086  }
0x1c: {  	p1 =	slt.u32 s9, $0xF7A;
	s5 =	simm.s32 @!p2 $0x0  }
0x1d: {  	s5 =	simm.s32 @p1 $0x1;
	p0 =	seq.s32 s7, s2  }
0x1e: {  	s7 =	smul.u32 @!p0 $0xF7A, s2;
	p2 =	seq.s32 @!p0 s5, $0x0  }
0x1f: {  	s9 =	smul.u32 $0xF7A, s1;
	s8 =	simm.s32 @!p0 $0x1BF5;
	p2 =	por !p2, p0  }
0x20: {  	[sflag:s8] =	ssyncset.s32 @!p0 $0xFFFFF086;
	s6 =	sadd.s32 @!p0 s3, s7;
	s7 =	simm.s32 @!p0 $0x108  }
0x21: {  	s3 =	sadd.s32 s3, s9;
	s6 =	sadd.s32 @!p0 $0x88, s6;
	s7 =	simm.s32 @p2 $0x1082  }
0x22: {  	[simem:s7], [sflag:s8] =	dma.local @!p0 [hbm:s6], $0xF7A  }
0x23: {  	s9 =	sor.u32 $0xD0000000, s2;
	s6 =	simm.s32 $0x108;
	_ =	swait.ge @!p0 [sflag:s8], $0x0  }
0x24: {  	s3 =	sadd.s32 $0x88, s3;
	s6 =	simm.s32 @!p1 $0x1082;
	[sflag:s4] =	ssyncset.s32 $0xFFFFF086  }
0x25: {  	[simem:s6], [sflag:s4] =	dma.local [hbm:s3], $0xF7A  }
0x26: {  	[smem:$0x3F9F] =	sst s1;
	(tag) =	ssettag s2;
	_ =	strace s9  }
0x27: {  	s1 =	sld [smem:$0x3FAF]  }
0x28: {  	s2 =	sld [smem:$0x3FB0]  }
0x29: {  	s4 =	sld [smem:$0x3FB2]  }
0x2a: {  	p0 =	seq.s32 s5, $0x0;
	s5 =	sld [smem:$0x3FB3]  }
0x2b: {  	s6 =	sld [smem:$0x3FB4]  }
0x2c: {  	s7 =	sld [smem:$0x3FB5]  }
0x2d: {  	s3 =	simm.s32 $0x108;
	s8 =	sld [smem:$0x3FB6]  }
0x2e: {  	s3 =	simm.s32 @!p0 $0x1082;
	s9 =	sld [smem:$0x3FB7]  }
0x2f: {  	lr =	sadd.s32 s0, s3;
	s0 =	sld [smem:$0x3FAE]  }
0x30: {  	s3 =	sld [smem:$0x3FB1]  }
0x31: {  	[smem:$0x3FBA] =	sst s10  }
0x32: {  	s10 =	sld [smem:$0x3FB8];
	_ =	sdelay $0x3  }
0x33: {  	p0 =	seq.s32 s10, $0x1;
	s10 =	sld [smem:$0x3FBA];
	_ =	sdelay $0x3  }
0x34: {  	[smem:$0x3FBA] =	sst s10  }
0x35: {  	s10 =	sld [smem:$0x3FB9];
	_ =	sdelay $0x3  }
0x36: {  	p1 =	seq.s32 s10, $0x1;
	s10 =	sld [smem:$0x3FBA];
	_ =	sdelay $0x3  }
0x37: {  	[smem:$0x3FBA] =	sst s10  }
0x38: {  	s10 =	sld [smem:$0x3FBB]  }
0x39: {  	_ = 	snop;
	(pc) =	sbr.ind lr, $3  }
0x3a: {  	_ = 	snop  }
0x3b: {  	_ = 	snop  }
0x3c: {  	p2 =	seq.s32 s10, $0x1;
	s10 =	sld [smem:$0x3FBA]  }
0x3d: {  	_ =	shalt  }
0x3e: {  	_ =	shalt  }
0x3f: {  	_ =	shalt  }
0x40: {  	_ =	shalt  }
0x41: {  	_ =	shalt  }
0x42: {  	_ =	shalt  }
0x43: {  	_ =	shalt  }
0x44: {  	_ =	shalt  }
0x45: {  	_ =	shalt  }
0x46: {  	_ =	shalt  }
0x47: {  	_ =	shalt  }
0x48: {  	_ =	shalt  }
0x49: {  	_ =	shalt  }
0x4a: {  	_ =	shalt  }
0x4b: {  	_ =	shalt  }
0x4c: {  	_ =	shalt  }
0x4d: {  	_ =	shalt  }
0x4e: {  	_ =	shalt  }
0x4f: {  	_ =	shalt  }
0x50: {  	_ =	shalt  }
0x51: {  	_ =	shalt  }
0x52: {  	_ =	shalt  }
0x53: {  	_ =	shalt  }
0x54: {  	_ =	shalt  }
0x55: {  	_ =	shalt  }
0x56: {  	_ =	shalt  }
0x57: {  	_ =	shalt  }
0x58: {  	_ =	shalt  }
0x59: {  	_ =	shalt  }
0x5a: {  	_ =	shalt  }
0x5b: {  	_ =	shalt  }
0x5c: {  	_ =	shalt  }
0x5d: {  	_ =	shalt  }
0x5e: {  	_ =	shalt  }
0x5f: {  	_ =	shalt  }
0x60: {  	_ =	shalt  }
0x61: {  	_ =	shalt  }
0x62: {  	_ =	shalt  }
0x63: {  	_ =	shalt  }
0x64: {  	_ =	shalt  }
0x65: {  	_ =	shalt  }
0x66: {  	_ =	shalt  }
0x67: {  	_ =	shalt  }
0x68: {  	_ =	shalt  }
0x69: {  	_ =	shalt  }
0x6a: {  	_ =	shalt  }
0x6b: {  	_ =	shalt  }
0x6c: {  	_ =	shalt  }
0x6d: {  	_ =	shalt  }
0x6e: {  	_ =	shalt  }
0x6f: {  	_ =	shalt  }
0x70: {  	_ =	shalt  }
0x71: {  	_ =	shalt  }
0x72: {  	_ =	shalt  }
0x73: {  	_ =	shalt  }
0x74: {  	_ =	shalt  }
0x75: {  	_ =	shalt  }
0x76: {  	_ =	shalt  }
0x77: {  	_ =	shalt  }
0x78: {  	_ =	shalt  }
0x79: {  	_ =	shalt  }
0x7a: {  	_ =	shalt  }
0x7b: {  	_ =	shalt  }
0x7c: {  	_ =	shalt  }
0x7d: {  	_ =	shalt  }
0x7e: {  	_ =	shalt  }
0x7f: {  	_ =	shalt  }
0x80: {  	_ =	shalt  }
0x81: {  	_ =	shalt  }
0x82: {  	_ =	shalt  }
0x83: {  	_ =	shalt  }
0x84: {  	_ =	shalt  }
0x85: {  	_ =	shalt  }
0x86: {  	_ =	shalt  }
0x87: {  	_ =	shalt  }
.Lfunc_end0:
.L_simem_size_0:
called_computation.2_lowered:
.L_overlay_start_0:
0x88: {  	s2 =	sld [smem:$0x3FD9]  }
0x89: {  	s3 =	sld [smem:$0x3FFE];
	_ =	sdelay $0x1  }
0x8a: {  	s1 =	srdreg.scid  }
0x8b: {  	s0 =	sand.u32 $0x1, s1  }
0x8c: {  	s17 =	sshll.u32 s0, $0xA;
	s2 =	sadd.s32 s3, s2  }
0x8d: {  	s2 =	sadd.s32 s2, s17  }
0x8e: {  	[smem:$0x3FC6] =	sst s2  }
0x8f: {  	_ = 	snop  }
0x90: {  	s2 =	sld [smem:$0x3FD0];
	(tm) =	ssettm $0x1  }
0x91: {  	s18 =	sld [smem:$0x3FFB];
	_ =	sdelay $0x3  }
0x92: {  	_ =	strace s18  }
0x93: {  	s3 =	sld [smem:$0x3FFC];
	_ =	sdelay $0x3  }
0x94: {  	_ =	strace s3  }
0x95: {  	s3 =	sld [smem:$0x3FFD];
	_ =	sdelay $0x3  }
0x96: {  	_ =	strace s3  }
0x97: {  	_ =	strace $0x8FFFFFFF  }
0x98: {  	s19 =	sld [smem:$0x3FDB];
	_ =	sdelay $0x1  }
0x99: {  	s4 =	simm.s32 $_scs_section_size  }
0x9a: {  	s5 =	simm.s32 $_size__tile_overlayer_lowered;
	s6 =	simm.s32 $_tile_overlayer_lowered  }
0x9b: {  	s22 =	simm.s32 $0x1BFF;
	s21 =	sshll.u32 s6, $0x1;
	s3 =	sadd.s32 s4, s19  }
0x9c: {  	s7 =	simm.s32 $0x0;
	s20 =	sshll.u32 s5, $0x1;
	s5 =	sadd.s32 s21, s3  }
0x9d: {  	[timem:s7], [sflag:s22] =	dma.local [hbm:s5], s20  }
0x9e: {  	_ =	swait.ge [sflag:s22], s20  }
0x9f: {  	s4 =	ssub.s32 $0x0, s20;
	[sflag:s22] =	ssyncset.done $0x0  }
0xa0: {  	[sflag:s22] =	ssyncadd.s32 s4;
	_ =	sdelay $0x1  }
0xa1: {  	s23 =	simm.s32 $0x1B8B  }
0xa2: {  	_ =	swait.ge [sflag:s23], $0x1  }
0xa3: {  	[sflag:s23] =	ssyncset.done $0x0  }
0xa4: {  	s25 =	simm.s32 $0x1B8E;
	s24 =	sld [smem:$0x3FFE];
	[sflag:s23] =	ssyncadd.s32 $0xFFFFFFFF  }
0xa5: {  	s26 =	simm.s32 $execute0_lowered;
	[smem:$0x3FD2] =	sst s25  }
0xa6: {  	s5 =	sshll.u32 s26, $0x1;
	_ =	strace $0x80000049;
	[dreg:$0x1] =	wrdreg $0xFFFFFFFF  }
0xa7: {  	s28 =	simm.s32 $_size_execute0_lowered;
	s3 =	sadd.s32 s3, s5;
	[dreg:$0x0] =	wrdreg $0x0  }
0xa8: {  	s5 =	sshll.u32 s28, $0x1;
	[dreg:$0x2] =	wrdreg s3  }
0xa9: {  	[dreg:$0x3] =	wrdreg s5  }
0xaa: {  	[dreg:$0x4] =	wrdreg $0xC0  }
0xab: {  	_ =	task [dreg:s7], $0x5FFFF  }
0xac: {  	[dreg:$0x1] =	wrdreg $0xFFFFFFFF  }
0xad: {  	[dreg:$0x0] =	wrdreg $0x60  }
0xae: {  	[dreg:$0x2] =	wrdreg s2  }
0xaf: {  	[dreg:$0x3] =	wrdreg s24  }
0xb0: {  	[dreg:$0x4] =	wrdreg $0x9  }
0xb1: {  	_ =	task.clear_ibuf [dreg:s7], $0x5FFFF;
	_ =	strace $0x90000049  }
0xb2: {  	s29 =	simm.s32 $0x9;
	_ =	strace $0x8000004B  }
0xb3: {  	_ =	swait.ge [sflag:s29], $0x1  }
0xb4: {  	[sflag:s29] =	ssyncadd.s32 $0xFFFFFFFF  }
0xb5: {  	_ =	strace $0x9000004B  }
0xb6: {  	_ =	sfence  }
0xb7: {  	s30 =	sld [smem:$0x0];
	_ =	sdelay $0x2  }
0xb8: {  	s31 =	sshll.u32 s1, $0xD;
	s1 =	sshrl.u32 s1, $0x2  }
0xb9: {  	s3 =	sand.u32 $0x4000, s31;
	s1 =	sadd.s32 s1, s30  }
0xba: {  	s0 =	sor.u32 s3, s0;
	s1 =	sshll.u32 s1, $0x11  }
0xbb: {  	s0 =	sor.u32 s1, s0  }
0xbc: {  	s0 =	sadd.s32 $0x8F2B, s0  }
0xbd: {  	[sflag:s0] =	ssyncadd.remote.s32 $0x1  }
0xbe: {  	_ =	sfence.sel $0xFFFF  }
0xbf: {  	[dreg:$0x0] =	wrdreg $0xFFFFFFFF;
	(pc) =	sbr.abs _section_cstart, $3  }
0xc0: {  	[dreg:$0x1] =	wrdreg $0xFFFFFFFF  }
0xc1: {  	_ =	task.clear_ibuf [dreg:s7], $0x2FFFF;
	_ =	strace $0x9FFFFFFF  }
0xc2: {  	(tm) =	ssettm $0x7FFFFFFF  }
0xc3: {  	_ =	shalt  }
tec
execute0_lowered:
.L_overlay_start_1:
0x0: {  	(tag) =	ssettag $0x1  }
0x1: {  	s1 =	srdreg.scid;
	s2 =	rddreg [dreg:$0x0]  }
0x2: {  	s0 =	stileid.u32;
	s6 =	rddreg [dreg:$0x1];
	s3 =	simm.s32 $0x0  }
0x3: {  	s11 =	simm.s32 $0x400;
	s12 =	simm.s32 $0x3600;
	s13 =	simm.s32 $0xA200  }
0x4: {  	s14 =	simm.s32 $0x3;
	s5 =	sand.u32 $0x1, s1;
	s30 =	sshll.u32 s0, $0x1  }
0x5: {  	s15 =	simm.s32 $0x1;
	s16 =	simm.s32 $0x10E00;
	s4 =	sor.u32 s5, s30  }
0x6: {  	s17 =	simm.s32 $0x2;
	s18 =	simm.s32 $0x4;
	s7 =	smul.u32 $0x6C0, s4  }
0x7: {  	s19 =	simm.s32 $0x17A00;
	s20 =	simm.s32 $0x0;
	s4 =	smul.u32 $0x1B000, s4  }
.Ltmp0:
0x8: {  	[smem:$0x7FF] =	sst s3;
	s8 =	ssub.s32 $0x2, s5;
	(pc) =	sbr.rel .LBB2_1-.Ltmp0, $4  }
0x9: {  	s1 =	rddreg [dreg:$0x2];
	_ =	strace $0x8000004A;
	s10 =	sshrl.u32 s8, $0x1  }
0xa: {  	s5 =	sadd.s32 $0xE600, s6;
	s31 =	ssub.s32 s8, s10;
	s9 =	sshrl.u32 s4, $0x3  }
0xb: {  	s10 =	simm.s32 $0x100;
	s7 =	sadd.s32 s7, s6;
	s6 =	sadd.s32 s2, s9  }
0xc: {  	s7 =	sadd.s32 $0xE00, s7;
	s9 =	smax.u32 s31, $0x1;
	s8 =	sadd.s32 $0x20, s6  }
.LBB2_16:
0xd: {  	s20 =	sadd.s32 $0x1, s20  }
0xe: {  	_ =	swait.ge [sflag:s14], $0x6C00;
	p0 =	sne.s32 s20, s9  }
.Ltmp1:
0xf: {  	[sflag:s14] =	ssyncset.done $0x0;
	(pc) =	sbr.rel @!p0 .LBB2_17-.Ltmp1, $4  }
0x10: {  	[sflag:s14] =	ssyncadd.s32 $0xFFFF9400  }
0x11: {  	_ =	swait.ge [sflag:s18], $0x6C00  }
0x12: {  	[sflag:s18] =	ssyncset.done $0x0  }
0x13: {  	[sflag:s18] =	ssyncadd.s32 $0xFFFF9400  }
.LBB2_1:
0x14: {  	[tilespmem:s3], [sflag:$0x3] =	stream.linear.gather [hbm4b:s7+s3], $0x3600, $0x38;
	[tilespmem:$0x1E600] =	vst v63  }
0x15: {  	_ = 	snop  }
0x16: {  	[tilespmem:s12], [sflag:$0x1] =	stream.strided.gather [hbm4b:s6+s10], $0x6C00, s11, s10, $0x38;
	[tilespmem:$0x1E600] =	vst v63  }
0x17: {  	_ = 	snop  }
0x18: {  	[tilespmem:s13], [sflag:$0x2] =	stream.strided.gather [hbm4b:s8+s10], $0x6C00, s11, s10, $0x38;
	[tilespmem:$0x1E600] =	vst v63  }
0x19: {  	_ =	swait.ge [sflag:s14], $0x3600  }
0x1a: {  	[sflag:s14] =	ssyncset.done $0x0  }
0x1b: {  	s21 =	simm.s32 $0x0;
	[sflag:s14] =	ssyncadd.s32 $0xFFFFCA00  }
.LBB2_2:
0x1c: {  	_ =	swait.ge [sflag:s15], $0x6C00  }
0x1d: {  	p0 =	seq.s32 s21, $0x0;
	[sflag:s15] =	ssyncset.done $0x0  }
0x1e: {  	s22 =	simm.s32 @!p0 $0x3;
	[sflag:s15] =	ssyncadd.s32 $0xFFFF9400  }
0x1f: {  	_ =	swait.ge @!p0 [sflag:s22], $0x6C00  }
0x20: {  	[sflag:s22] =	ssyncset.done @!p0 $0x0  }
0x21: {  	s30 =	simm.s32 $0x3700;
	[sflag:s22] =	ssyncadd.s32 @!p0 $0xFFFF9400  }
0x22: {  	s23 =	simm.s32 $0x80;
	v1 =	vld [tilespmem:s30+$0x70]  }
0x23: {  	v2 =	vld [tilespmem:s23+$0x70]  }
0x24: {  	v0 =	vld [tilespmem:s23+$0xFFFFFF80]  }
0x25: {  	v3 =	vld [tilespmem:s30+$0xFFFFFF10]  }
0x26: {  	v4 =	vld [tilespmem:s23+$0xFFFFFF90]  }
0x27: {  	v5 =	vld [tilespmem:s30+$0xFFFFFF20]  }
0x28: {  	v6 =	vld [tilespmem:s23+$0xFFFFFFA0]  }
0x29: {  	v7 =	vld [tilespmem:s30+$0xFFFFFF30]  }
0x2a: {  	v8 =	vld [tilespmem:s23+$0xFFFFFFB0]  }
0x2b: {  	v9 =	vld [tilespmem:s30+$0xFFFFFF40]  }
0x2c: {  	v10 =	vld [tilespmem:s23+$0xFFFFFFC0]  }
0x2d: {  	v11 =	vld [tilespmem:s30+$0xFFFFFF50]  }
0x2e: {  	v12 =	vld [tilespmem:s23+$0xFFFFFFD0]  }
0x2f: {  	v13 =	vld [tilespmem:s30+$0xFFFFFF60]  }
0x30: {  	v14 =	vld [tilespmem:s23+$0xFFFFFFE0]  }
0x31: {  	v15 =	vld [tilespmem:s30+$0xFFFFFF70]  }
0x32: {  	v16 =	vld [tilespmem:s23+$0xFFFFFFF0]  }
0x33: {  	v17 =	vld [tilespmem:s30+$0x0]  }
0x34: {  	v61 =	vld [tilespmem:s23+$0x30];
	v1 =	vadd.f32 v2, v1  }
0x35: {  	s28 =	simm.s32 $0x10F00;
	v2 =	vld [tilespmem:s23+$0x0];
	v3 =	vadd.f32 v4, v3  }
0x36: {  	v4 =	vld [tilespmem:s30+$0x10];
	[tilespmem:s28+$0x70] =	vst v1;
	v1 =	vadd.f32 v6, v5  }
0x37: {  	v5 =	vld [tilespmem:s23+$0x10];
	[tilespmem:s28+$0xFFFFFF10] =	vst v3;
	v3 =	vadd.f32 v8, v7  }
0x38: {  	v6 =	vld [tilespmem:s30+$0x20];
	[tilespmem:s28+$0xFFFFFF20] =	vst v1;
	v1 =	vadd.f32 v10, v9  }
0x39: {  	v7 =	vld [tilespmem:s23+$0x20];
	[tilespmem:s28+$0xFFFFFF30] =	vst v3;
	v3 =	vadd.f32 v12, v11  }
0x3a: {  	v8 =	vld [tilespmem:s30+$0x30];
	v2 =	vadd.f32 v2, v17;
	[tilespmem:s28+$0xFFFFFF40] =	vst v1  }
0x3b: {  	v62 =	vld [tilespmem:s30+$0x40];
	[tilespmem:s28+$0xFFFFFF50] =	vst v3;
	v3 =	vadd.f32 v16, v15  }
0x3c: {  	s26 =	sshrl.u32 s21, $0x1;
	v63 =	vld [tilespmem:s23+$0x40];
	v1 =	vadd.f32 v14, v13;
	[tilespmem:s28+$0x0] =	vst v2  }
0x3d: {  	s24 =	smul.u32 $0x360000, s26;
	v2 =	vld [tilespmem:s23+$0x50];
	[tilespmem:s28+$0xFFFFFF70] =	vst v3;
	v3 =	vadd.f32 v5, v4  }
0x3e: {  	s25 =	sshll.u32 s21, $0x9;
	[tilespmem:s28+$0xFFFFFF60] =	vst v1;
	v1 =	vld [tilespmem:s30+$0x50];
	v4 =	vadd.f32 v7, v6  }
0x3f: {  	s29 =	simm.s32 $0x0;
	s25 =	sand.u32 $0x200, s25;
	s24 =	sadd.s32 s4, s24;
	v6 =	vadd.f32 v61, v8;
	v5 =	vld [tilespmem:s23+$0x60];
	[tilespmem:s28+$0x10] =	vst v3  }
0x40: {  	s31 =	simm.s32 $0x80;
	s26 =	simm.s32 $0x3780;
	s24 =	sor.u32 s25, s24;
	v3 =	vld [tilespmem:s30+$0x60];
	[tilespmem:s28+$0x20] =	vst v4  }
0x41: {  	s25 =	simm.s32 $0x10F80;
	s22 =	sshll.u32 s21, $0x1;
	v4 =	vld [tilespmem:s30+$0xFFFFFF00];
	[tilespmem:s28+$0x30] =	vst v6;
	v6 =	vadd.f32 v63, v62;
	s30 =	simm.s32 $0x3900  }
.LBB2_3:
0x42: {  	v7 =	vld [tilespmem:s30+$0x70];
	s31 =	sadd.s32 $0x100, s31  }
0x43: {  	s29 =	sadd.s32 $0x10, s29;
	v8 =	vld [tilespmem:s31+$0x70];
	[tilespmem:s28+$0x40] =	vst v6;
	v1 =	vadd.f32 v2, v1  }
0x44: {  	p1 =	slt.u32 s29, $0x350;
	v2 =	vld [tilespmem:s31+$0xFFFFFF80]  }
0x45: {  	v6 =	vld [tilespmem:s30+$0xFFFFFF10];
	[tilespmem:s28+$0x50] =	vst v1;
	v1 =	vadd.f32 v5, v3  }
0x46: {  	v3 =	vld [tilespmem:s31+$0xFFFFFF90];
	v9 =	vadd.f32 v0, v4  }
0x47: {  	v4 =	vld [tilespmem:s30+$0xFFFFFF20];
	[tilespmem:s28+$0x60] =	vst v1  }
0x48: {  	v1 =	vld [tilespmem:s31+$0xFFFFFFA0];
	v5 =	vadd.f32 v8, v7;
	[tilespmem:s28+$0xFFFFFF00] =	vst v9  }
0x49: {  	s28 =	sadd.s32 $0x200, s28;
	v7 =	vld [tilespmem:s30+$0xFFFFFF30];
	v0 =	vmov v2  }
0x4a: {  	v2 =	vld [tilespmem:s31+$0xFFFFFFB0];
	[tilespmem:s28+$0x70] =	vst v5  }
0x4b: {  	v3 =	vadd.f32 v3, v6;
	v5 =	vld [tilespmem:s30+$0xFFFFFF40]  }
0x4c: {  	v6 =	vld [tilespmem:s31+$0xFFFFFFC0]  }
0x4d: {  	[tilespmem:s28+$0xFFFFFF10] =	vst v3;
	v1 =	vadd.f32 v1, v4;
	v3 =	vld [tilespmem:s30+$0xFFFFFF50]  }
0x4e: {  	v4 =	vld [tilespmem:s31+$0xFFFFFFD0]  }
0x4f: {  	[tilespmem:s28+$0xFFFFFF20] =	vst v1;
	v1 =	vadd.f32 v2, v7;
	v2 =	vld [tilespmem:s30+$0xFFFFFF60]  }
0x50: {  	v7 =	vld [tilespmem:s31+$0xFFFFFFE0]  }
0x51: {  	[tilespmem:s28+$0xFFFFFF30] =	vst v1;
	v1 =	vadd.f32 v6, v5;
	v5 =	vld [tilespmem:s30+$0xFFFFFF70]  }
0x52: {  	v6 =	vld [tilespmem:s31+$0xFFFFFFF0]  }
0x53: {  	[tilespmem:s28+$0xFFFFFF40] =	vst v1;
	v1 =	vadd.f32 v4, v3;
	v3 =	vld [tilespmem:s30+$0x0]  }
0x54: {  	v4 =	vld [tilespmem:s31+$0x0]  }
0x55: {  	[tilespmem:s28+$0xFFFFFF50] =	vst v1;
	v1 =	vadd.f32 v7, v2;
	v2 =	vld [tilespmem:s30+$0x10]  }
0x56: {  	v7 =	vld [tilespmem:s31+$0x10]  }
0x57: {  	[tilespmem:s28+$0xFFFFFF60] =	vst v1;
	v1 =	vadd.f32 v6, v5;
	v5 =	vld [tilespmem:s30+$0x20]  }
0x58: {  	v6 =	vld [tilespmem:s31+$0x20]  }
0x59: {  	[tilespmem:s28+$0xFFFFFF70] =	vst v1;
	v1 =	vadd.f32 v4, v3;
	v3 =	vld [tilespmem:s30+$0x30]  }
0x5a: {  	v4 =	vld [tilespmem:s31+$0x30]  }
0x5b: {  	[tilespmem:s28+$0x0] =	vst v1;
	v1 =	vadd.f32 v7, v2;
	v7 =	vld [tilespmem:s30+$0x40]  }
0x5c: {  	v8 =	vld [tilespmem:s31+$0x40]  }
.Ltmp2:
0x5d: {  	[tilespmem:s28+$0x10] =	vst v1;
	v5 =	vadd.f32 v6, v5;
	v1 =	vld [tilespmem:s30+$0x50];
	(pc) =	sbr.rel @p1 .LBB2_3-.Ltmp2, $4  }
0x5e: {  	v2 =	vld [tilespmem:s31+$0x50]  }
0x5f: {  	[tilespmem:s28+$0x20] =	vst v5;
	v6 =	vadd.f32 v4, v3;
	v3 =	vld [tilespmem:s30+$0x60]  }
0x60: {  	v5 =	vld [tilespmem:s31+$0x60]  }
0x61: {  	v4 =	vld [tilespmem:s30+$0xFFFFFF00];
	[tilespmem:s28+$0x30] =	vst v6;
	v6 =	vadd.f32 v8, v7;
	s30 =	sadd.s32 $0x200, s30  }
0x62: {  	_ =	sdelay $0x1  }
0x63: {  	v1 =	vadd.f32 v2, v1  }
0x64: {  	[tilespmem:s28+$0x40] =	vst v6;
	v2 =	vadd.f32 v5, v3  }
0x65: {  	[tilespmem:s28+$0x50] =	vst v1;
	v0 =	vadd.f32 v0, v4  }
0x66: {  	[tilespmem:s28+$0x60] =	vst v2  }
0x67: {  	[tilespmem:s28+$0xFFFFFF00] =	vst v0  }
0x68: {  	v1 =	vld [tilespmem:s26+$0x70]  }
0x69: {  	v2 =	vld [tilespmem:s23+$0x70]  }
0x6a: {  	v0 =	vld [tilespmem:s23+$0xFFFFFF80]  }
0x6b: {  	v3 =	vld [tilespmem:s26+$0xFFFFFF10]  }
0x6c: {  	v4 =	vld [tilespmem:s23+$0xFFFFFF90]  }
0x6d: {  	v5 =	vld [tilespmem:s26+$0xFFFFFF20]  }
0x6e: {  	v6 =	vld [tilespmem:s23+$0xFFFFFFA0]  }
0x6f: {  	v7 =	vld [tilespmem:s26+$0xFFFFFF30]  }
0x70: {  	v8 =	vld [tilespmem:s23+$0xFFFFFFB0]  }
0x71: {  	v9 =	vld [tilespmem:s26+$0xFFFFFF40]  }
0x72: {  	v10 =	vld [tilespmem:s23+$0xFFFFFFC0]  }
0x73: {  	v11 =	vld [tilespmem:s26+$0xFFFFFF50]  }
0x74: {  	v12 =	vld [tilespmem:s23+$0xFFFFFFD0]  }
0x75: {  	v13 =	vld [tilespmem:s26+$0xFFFFFF60]  }
0x76: {  	v14 =	vld [tilespmem:s23+$0xFFFFFFE0]  }
0x77: {  	v15 =	vld [tilespmem:s26+$0xFFFFFF70]  }
0x78: {  	v16 =	vld [tilespmem:s23+$0xFFFFFFF0]  }
0x79: {  	v17 =	vld [tilespmem:s26+$0x0]  }
0x7a: {  	v61 =	vld [tilespmem:s23+$0x30];
	v1 =	vadd.f32 v2, v1  }
0x7b: {  	v2 =	vld [tilespmem:s23+$0x0];
	v3 =	vadd.f32 v4, v3  }
0x7c: {  	v4 =	vld [tilespmem:s26+$0x10];
	[tilespmem:s25+$0x70] =	vst v1;
	v1 =	vadd.f32 v6, v5  }
0x7d: {  	v5 =	vld [tilespmem:s23+$0x10];
	[tilespmem:s25+$0xFFFFFF10] =	vst v3;
	v3 =	vadd.f32 v8, v7  }
0x7e: {  	v6 =	vld [tilespmem:s26+$0x20];
	[tilespmem:s25+$0xFFFFFF20] =	vst v1;
	v1 =	vadd.f32 v10, v9  }
0x7f: {  	v7 =	vld [tilespmem:s23+$0x20];
	[tilespmem:s25+$0xFFFFFF30] =	vst v3;
	v3 =	vadd.f32 v12, v11  }
0x80: {  	v8 =	vld [tilespmem:s26+$0x30];
	v2 =	vadd.f32 v2, v17;
	[tilespmem:s25+$0xFFFFFF40] =	vst v1  }
0x81: {  	v62 =	vld [tilespmem:s26+$0x40];
	v1 =	vadd.f32 v14, v13;
	[tilespmem:s25+$0xFFFFFF50] =	vst v3  }
0x82: {  	v63 =	vld [tilespmem:s23+$0x40];
	v3 =	vadd.f32 v16, v15;
	[tilespmem:s25+$0x0] =	vst v2  }
0x83: {  	v4 =	vadd.f32 v5, v4;
	[tilespmem:s25+$0xFFFFFF60] =	vst v1;
	v1 =	vld [tilespmem:s26+$0x50]  }
0x84: {  	v5 =	vadd.f32 v7, v6;
	[tilespmem:s25+$0xFFFFFF70] =	vst v3;
	v3 =	vld [tilespmem:s23+$0x50]  }
0x85: {  	v6 =	vadd.f32 v61, v8;
	v2 =	vld [tilespmem:s26+$0x60];
	[tilespmem:s25+$0x10] =	vst v4  }
0x86: {  	[tilespmem:s25+$0x20] =	vst v5;
	v5 =	vld [tilespmem:s23+$0x60]  }
0x87: {  	s28 =	simm.s32 $0x0;
	v4 =	vld [tilespmem:s26+$0xFFFFFF00];
	[tilespmem:s25+$0x30] =	vst v6;
	v6 =	vadd.f32 v63, v62;
	s26 =	simm.s32 $0x3980  }
.LBB2_5:
0x88: {  	v7 =	vld [tilespmem:s26+$0x70];
	s23 =	sadd.s32 $0x100, s23  }
0x89: {  	s28 =	sadd.s32 $0x10, s28;
	v8 =	vld [tilespmem:s23+$0x70];
	[tilespmem:s25+$0x40] =	vst v6;
	v1 =	vadd.f32 v3, v1  }
0x8a: {  	p1 =	slt.u32 s28, $0x350;
	v3 =	vld [tilespmem:s23+$0xFFFFFF80]  }
0x8b: {  	v6 =	vld [tilespmem:s26+$0xFFFFFF10];
	[tilespmem:s25+$0x50] =	vst v1;
	v1 =	vadd.f32 v5, v2  }
0x8c: {  	v2 =	vld [tilespmem:s23+$0xFFFFFF90];
	v9 =	vadd.f32 v0, v4  }
0x8d: {  	v4 =	vld [tilespmem:s26+$0xFFFFFF20];
	[tilespmem:s25+$0x60] =	vst v1  }
0x8e: {  	v1 =	vld [tilespmem:s23+$0xFFFFFFA0];
	v5 =	vadd.f32 v8, v7;
	[tilespmem:s25+$0xFFFFFF00] =	vst v9  }
0x8f: {  	s25 =	sadd.s32 $0x200, s25;
	v7 =	vld [tilespmem:s26+$0xFFFFFF30];
	v0 =	vmov v3  }
0x90: {  	v3 =	vld [tilespmem:s23+$0xFFFFFFB0];
	[tilespmem:s25+$0x70] =	vst v5  }
0x91: {  	v2 =	vadd.f32 v2, v6;
	v5 =	vld [tilespmem:s26+$0xFFFFFF40]  }
0x92: {  	v6 =	vld [tilespmem:s23+$0xFFFFFFC0]  }
0x93: {  	[tilespmem:s25+$0xFFFFFF10] =	vst v2;
	v1 =	vadd.f32 v1, v4;
	v2 =	vld [tilespmem:s26+$0xFFFFFF50]  }
0x94: {  	v4 =	vld [tilespmem:s23+$0xFFFFFFD0]  }
0x95: {  	[tilespmem:s25+$0xFFFFFF20] =	vst v1;
	v1 =	vadd.f32 v3, v7;
	v3 =	vld [tilespmem:s26+$0xFFFFFF60]  }
0x96: {  	v7 =	vld [tilespmem:s23+$0xFFFFFFE0]  }
0x97: {  	[tilespmem:s25+$0xFFFFFF30] =	vst v1;
	v1 =	vadd.f32 v6, v5;
	v5 =	vld [tilespmem:s26+$0xFFFFFF70]  }
0x98: {  	v6 =	vld [tilespmem:s23+$0xFFFFFFF0]  }
0x99: {  	[tilespmem:s25+$0xFFFFFF40] =	vst v1;
	v1 =	vadd.f32 v4, v2;
	v2 =	vld [tilespmem:s26+$0x0]  }
0x9a: {  	v4 =	vld [tilespmem:s23+$0x0]  }
0x9b: {  	[tilespmem:s25+$0xFFFFFF50] =	vst v1;
	v1 =	vadd.f32 v7, v3;
	v3 =	vld [tilespmem:s26+$0x10]  }
0x9c: {  	v7 =	vld [tilespmem:s23+$0x10]  }
0x9d: {  	[tilespmem:s25+$0xFFFFFF60] =	vst v1;
	v1 =	vadd.f32 v6, v5;
	v5 =	vld [tilespmem:s26+$0x20]  }
0x9e: {  	v6 =	vld [tilespmem:s23+$0x20]  }
0x9f: {  	[tilespmem:s25+$0xFFFFFF70] =	vst v1;
	v1 =	vadd.f32 v4, v2;
	v2 =	vld [tilespmem:s26+$0x30]  }
0xa0: {  	v4 =	vld [tilespmem:s23+$0x30]  }
0xa1: {  	[tilespmem:s25+$0x0] =	vst v1;
	v1 =	vadd.f32 v7, v3;
	v7 =	vld [tilespmem:s26+$0x40]  }
0xa2: {  	v8 =	vld [tilespmem:s23+$0x40]  }
.Ltmp3:
0xa3: {  	[tilespmem:s25+$0x10] =	vst v1;
	v5 =	vadd.f32 v6, v5;
	v1 =	vld [tilespmem:s26+$0x50];
	(pc) =	sbr.rel @p1 .LBB2_5-.Ltmp3, $4  }
0xa4: {  	v3 =	vld [tilespmem:s23+$0x50]  }
0xa5: {  	[tilespmem:s25+$0x20] =	vst v5;
	v6 =	vadd.f32 v4, v2;
	v2 =	vld [tilespmem:s26+$0x60]  }
0xa6: {  	v5 =	vld [tilespmem:s23+$0x60]  }
0xa7: {  	v4 =	vld [tilespmem:s26+$0xFFFFFF00];
	[tilespmem:s25+$0x30] =	vst v6;
	v6 =	vadd.f32 v8, v7;
	s26 =	sadd.s32 $0x200, s26  }
0xa8: {  	_ =	sdelay $0x1  }
0xa9: {  	p1 =	sne.s32 s21, $0xF;
	v1 =	vadd.f32 v3, v1  }
.Ltmp4:
0xaa: {  	[tilespmem:s25+$0x40] =	vst v6;
	v2 =	vadd.f32 v5, v2;
	(pc) =	sbr.rel @p1 .LBB2_8-.Ltmp4, $4  }
0xab: {  	[tilespmem:s25+$0x50] =	vst v1;
	v0 =	vadd.f32 v0, v4  }
0xac: {  	s23 =	sshrl.u32 s24, $0x3;
	[tilespmem:s25+$0x60] =	vst v2  }
0xad: {  	s24 =	sadd.s32 s5, s23;
	[tilespmem:s25+$0xFFFFFF00] =	vst v0  }
0xae: {  	[hbm4b:s24+s10] =	stream.strided.scatter [tilespmem:s16], [sflag:$0x3], $0x6C00, s11, s10, $0x38;
	[tilespmem:$0x1E600] =	vst v63  }
.Ltmp5:
0xaf: {  	(pc) =	sbr.rel .LBB2_9-.Ltmp5, $4  }
0xb0: {  	_ = 	snop  }
0xb1: {  	_ =	swait.ge [sflag:s17], $0x6C00  }
0xb2: {  	[sflag:s17] =	ssyncset.done $0x0  }
0xb3: {  	[sflag:s17] =	ssyncadd.s32 $0xFFFF9400  }
.LBB2_8:
0xb4: {  	s24 =	sadd.s32 $0x2, s22  }
0xb5: {  	s25 =	sshrl.u32 s24, $0x2  }
0xb6: {  	s25 =	smul.u32 $0x360000, s25  }
0xb7: {  	s24 =	sshll.u32 s24, $0x8  }
0xb8: {  	s24 =	sand.u32 $0x200, s24;
	s25 =	sadd.s32 s4, s25  }
0xb9: {  	s24 =	sor.u32 s24, s25  }
0xba: {  	s24 =	sshrl.u32 s24, $0x3  }
.Ltmp6:
0xbb: {  	s24 =	sadd.s32 s2, s24;
	(pc) =	sbr.rel @p0 .LBB2_10-.Ltmp6, $4  }
0xbc: {  	[tilespmem:s12], [sflag:$0x1] =	stream.strided.gather [hbm4b:s24+s10], $0x6C00, s11, s10, $0x38;
	[tilespmem:$0x1E600] =	vst v63  }
0xbd: {  	_ =	swait.ge [sflag:s17], $0x6C00  }
0xbe: {  	[sflag:s17] =	ssyncset.done $0x0  }
0xbf: {  	[sflag:s17] =	ssyncadd.s32 $0xFFFF9400  }
.LBB2_9:
0xc0: {  	_ =	swait.ge [sflag:s18], $0x6C00  }
0xc1: {  	[sflag:s18] =	ssyncset.done $0x0  }
0xc2: {  	[sflag:s18] =	ssyncadd.s32 $0xFFFF9400  }
.LBB2_10:
0xc3: {  	s30 =	simm.s32 $0xA300  }
0xc4: {  	s24 =	simm.s32 $0x80;
	v1 =	vld [tilespmem:s30+$0x70]  }
0xc5: {  	v2 =	vld [tilespmem:s24+$0x70]  }
0xc6: {  	v0 =	vld [tilespmem:s24+$0xFFFFFF80]  }
0xc7: {  	v3 =	vld [tilespmem:s30+$0xFFFFFF10]  }
0xc8: {  	v4 =	vld [tilespmem:s24+$0xFFFFFF90]  }
0xc9: {  	v5 =	vld [tilespmem:s30+$0xFFFFFF20]  }
0xca: {  	v6 =	vld [tilespmem:s24+$0xFFFFFFA0]  }
0xcb: {  	v7 =	vld [tilespmem:s30+$0xFFFFFF30]  }
0xcc: {  	v8 =	vld [tilespmem:s24+$0xFFFFFFB0]  }
0xcd: {  	v9 =	vld [tilespmem:s30+$0xFFFFFF40]  }
0xce: {  	v10 =	vld [tilespmem:s24+$0xFFFFFFC0]  }
0xcf: {  	v11 =	vld [tilespmem:s30+$0xFFFFFF50]  }
0xd0: {  	v12 =	vld [tilespmem:s24+$0xFFFFFFD0]  }
0xd1: {  	v13 =	vld [tilespmem:s30+$0xFFFFFF60]  }
0xd2: {  	v14 =	vld [tilespmem:s24+$0xFFFFFFE0]  }
0xd3: {  	v15 =	vld [tilespmem:s30+$0xFFFFFF70]  }
0xd4: {  	v16 =	vld [tilespmem:s24+$0xFFFFFFF0]  }
0xd5: {  	v17 =	vld [tilespmem:s30+$0x0]  }
0xd6: {  	v61 =	vld [tilespmem:s24+$0x30];
	v1 =	vadd.f32 v2, v1  }
0xd7: {  	s28 =	simm.s32 $0x17B00;
	v2 =	vld [tilespmem:s24+$0x0];
	v3 =	vadd.f32 v4, v3  }
0xd8: {  	v4 =	vld [tilespmem:s30+$0x10];
	[tilespmem:s28+$0x70] =	vst v1;
	v1 =	vadd.f32 v6, v5  }
0xd9: {  	v5 =	vld [tilespmem:s24+$0x10];
	[tilespmem:s28+$0xFFFFFF10] =	vst v3;
	v3 =	vadd.f32 v8, v7  }
0xda: {  	v6 =	vld [tilespmem:s30+$0x20];
	[tilespmem:s28+$0xFFFFFF20] =	vst v1;
	v1 =	vadd.f32 v10, v9  }
0xdb: {  	v7 =	vld [tilespmem:s24+$0x20];
	[tilespmem:s28+$0xFFFFFF30] =	vst v3;
	v3 =	vadd.f32 v12, v11  }
0xdc: {  	v8 =	vld [tilespmem:s30+$0x30];
	v2 =	vadd.f32 v2, v17;
	[tilespmem:s28+$0xFFFFFF40] =	vst v1  }
0xdd: {  	v62 =	vld [tilespmem:s30+$0x40];
	v1 =	vadd.f32 v14, v13;
	[tilespmem:s28+$0xFFFFFF50] =	vst v3  }
0xde: {  	v63 =	vld [tilespmem:s24+$0x40];
	v3 =	vadd.f32 v16, v15;
	[tilespmem:s28+$0x0] =	vst v2  }
0xdf: {  	v4 =	vadd.f32 v5, v4;
	[tilespmem:s28+$0xFFFFFF60] =	vst v1;
	v1 =	vld [tilespmem:s30+$0x50]  }
0xe0: {  	v5 =	vadd.f32 v7, v6;
	[tilespmem:s28+$0xFFFFFF70] =	vst v3;
	v3 =	vld [tilespmem:s24+$0x50]  }
0xe1: {  	v6 =	vadd.f32 v61, v8;
	v2 =	vld [tilespmem:s30+$0x60];
	[tilespmem:s28+$0x10] =	vst v4  }
0xe2: {  	s29 =	simm.s32 $0x0;
	s25 =	simm.s32 $0x17B80;
	[tilespmem:s28+$0x20] =	vst v5;
	v5 =	vld [tilespmem:s24+$0x60]  }
0xe3: {  	s26 =	simm.s32 $0xA380;
	s31 =	simm.s32 $0x80;
	v4 =	vld [tilespmem:s30+$0xFFFFFF00];
	[tilespmem:s28+$0x30] =	vst v6;
	v6 =	vadd.f32 v63, v62;
	s30 =	simm.s32 $0xA500  }
.LBB2_11:
0xe4: {  	v7 =	vld [tilespmem:s30+$0x70];
	s31 =	sadd.s32 $0x100, s31  }
0xe5: {  	s29 =	sadd.s32 $0x10, s29;
	v8 =	vld [tilespmem:s31+$0x70];
	[tilespmem:s28+$0x40] =	vst v6;
	v1 =	vadd.f32 v3, v1  }
0xe6: {  	p0 =	slt.u32 s29, $0x350;
	v3 =	vld [tilespmem:s31+$0xFFFFFF80]  }
0xe7: {  	v6 =	vld [tilespmem:s30+$0xFFFFFF10];
	[tilespmem:s28+$0x50] =	vst v1;
	v1 =	vadd.f32 v5, v2  }
0xe8: {  	v2 =	vld [tilespmem:s31+$0xFFFFFF90];
	v9 =	vadd.f32 v0, v4  }
0xe9: {  	v4 =	vld [tilespmem:s30+$0xFFFFFF20];
	[tilespmem:s28+$0x60] =	vst v1  }
0xea: {  	v1 =	vld [tilespmem:s31+$0xFFFFFFA0];
	v5 =	vadd.f32 v8, v7;
	[tilespmem:s28+$0xFFFFFF00] =	vst v9  }
0xeb: {  	s28 =	sadd.s32 $0x200, s28;
	v7 =	vld [tilespmem:s30+$0xFFFFFF30];
	v0 =	vmov v3  }
0xec: {  	v3 =	vld [tilespmem:s31+$0xFFFFFFB0];
	[tilespmem:s28+$0x70] =	vst v5  }
0xed: {  	v2 =	vadd.f32 v2, v6;
	v5 =	vld [tilespmem:s30+$0xFFFFFF40]  }
0xee: {  	v6 =	vld [tilespmem:s31+$0xFFFFFFC0]  }
0xef: {  	[tilespmem:s28+$0xFFFFFF10] =	vst v2;
	v1 =	vadd.f32 v1, v4;
	v2 =	vld [tilespmem:s30+$0xFFFFFF50]  }
0xf0: {  	v4 =	vld [tilespmem:s31+$0xFFFFFFD0]  }
0xf1: {  	[tilespmem:s28+$0xFFFFFF20] =	vst v1;
	v1 =	vadd.f32 v3, v7;
	v3 =	vld [tilespmem:s30+$0xFFFFFF60]  }
0xf2: {  	v7 =	vld [tilespmem:s31+$0xFFFFFFE0]  }
0xf3: {  	[tilespmem:s28+$0xFFFFFF30] =	vst v1;
	v1 =	vadd.f32 v6, v5;
	v5 =	vld [tilespmem:s30+$0xFFFFFF70]  }
0xf4: {  	v6 =	vld [tilespmem:s31+$0xFFFFFFF0]  }
0xf5: {  	[tilespmem:s28+$0xFFFFFF40] =	vst v1;
	v1 =	vadd.f32 v4, v2;
	v2 =	vld [tilespmem:s30+$0x0]  }
0xf6: {  	v4 =	vld [tilespmem:s31+$0x0]  }
0xf7: {  	[tilespmem:s28+$0xFFFFFF50] =	vst v1;
	v1 =	vadd.f32 v7, v3;
	v3 =	vld [tilespmem:s30+$0x10]  }
0xf8: {  	v7 =	vld [tilespmem:s31+$0x10]  }
0xf9: {  	[tilespmem:s28+$0xFFFFFF60] =	vst v1;
	v1 =	vadd.f32 v6, v5;
	v5 =	vld [tilespmem:s30+$0x20]  }
0xfa: {  	v6 =	vld [tilespmem:s31+$0x20]  }
0xfb: {  	[tilespmem:s28+$0xFFFFFF70] =	vst v1;
	v1 =	vadd.f32 v4, v2;
	v2 =	vld [tilespmem:s30+$0x30]  }
0xfc: {  	v4 =	vld [tilespmem:s31+$0x30]  }
0xfd: {  	[tilespmem:s28+$0x0] =	vst v1;
	v1 =	vadd.f32 v7, v3;
	v7 =	vld [tilespmem:s30+$0x40]  }
0xfe: {  	v8 =	vld [tilespmem:s31+$0x40]  }
.Ltmp7:
0xff: {  	[tilespmem:s28+$0x10] =	vst v1;
	v5 =	vadd.f32 v6, v5;
	v1 =	vld [tilespmem:s30+$0x50];
	(pc) =	sbr.rel @p0 .LBB2_11-.Ltmp7, $4  }
0x100: {  	v3 =	vld [tilespmem:s31+$0x50]  }
0x101: {  	[tilespmem:s28+$0x20] =	vst v5;
	v6 =	vadd.f32 v4, v2;
	v2 =	vld [tilespmem:s30+$0x60]  }
0x102: {  	v5 =	vld [tilespmem:s31+$0x60]  }
0x103: {  	v4 =	vld [tilespmem:s30+$0xFFFFFF00];
	[tilespmem:s28+$0x30] =	vst v6;
	v6 =	vadd.f32 v8, v7;
	s30 =	sadd.s32 $0x200, s30  }
0x104: {  	_ =	sdelay $0x1  }
0x105: {  	v1 =	vadd.f32 v3, v1  }
0x106: {  	[tilespmem:s28+$0x40] =	vst v6;
	v2 =	vadd.f32 v5, v2  }
0x107: {  	[tilespmem:s28+$0x50] =	vst v1;
	v0 =	vadd.f32 v0, v4  }
0x108: {  	[tilespmem:s28+$0x60] =	vst v2  }
0x109: {  	[tilespmem:s28+$0xFFFFFF00] =	vst v0  }
0x10a: {  	v1 =	vld [tilespmem:s26+$0x70]  }
0x10b: {  	v2 =	vld [tilespmem:s24+$0x70]  }
0x10c: {  	v0 =	vld [tilespmem:s24+$0xFFFFFF80]  }
0x10d: {  	v3 =	vld [tilespmem:s26+$0xFFFFFF10]  }
0x10e: {  	v4 =	vld [tilespmem:s24+$0xFFFFFF90]  }
0x10f: {  	v5 =	vld [tilespmem:s26+$0xFFFFFF20]  }
0x110: {  	v6 =	vld [tilespmem:s24+$0xFFFFFFA0]  }
0x111: {  	v7 =	vld [tilespmem:s26+$0xFFFFFF30]  }
0x112: {  	v8 =	vld [tilespmem:s24+$0xFFFFFFB0]  }
0x113: {  	v9 =	vld [tilespmem:s26+$0xFFFFFF40]  }
0x114: {  	v10 =	vld [tilespmem:s24+$0xFFFFFFC0]  }
0x115: {  	v11 =	vld [tilespmem:s26+$0xFFFFFF50]  }
0x116: {  	v12 =	vld [tilespmem:s24+$0xFFFFFFD0]  }
0x117: {  	v13 =	vld [tilespmem:s26+$0xFFFFFF60]  }
0x118: {  	v14 =	vld [tilespmem:s24+$0xFFFFFFE0]  }
0x119: {  	v15 =	vld [tilespmem:s26+$0xFFFFFF70]  }
0x11a: {  	v16 =	vld [tilespmem:s24+$0xFFFFFFF0]  }
0x11b: {  	v17 =	vld [tilespmem:s26+$0x0]  }
0x11c: {  	v61 =	vld [tilespmem:s24+$0x30];
	v1 =	vadd.f32 v2, v1  }
0x11d: {  	v2 =	vld [tilespmem:s24+$0x0];
	v3 =	vadd.f32 v4, v3  }
0x11e: {  	v4 =	vld [tilespmem:s26+$0x10];
	[tilespmem:s25+$0x70] =	vst v1;
	v1 =	vadd.f32 v6, v5  }
0x11f: {  	v5 =	vld [tilespmem:s24+$0x10];
	[tilespmem:s25+$0xFFFFFF10] =	vst v3;
	v3 =	vadd.f32 v8, v7  }
0x120: {  	v6 =	vld [tilespmem:s26+$0x20];
	[tilespmem:s25+$0xFFFFFF20] =	vst v1;
	v1 =	vadd.f32 v10, v9  }
0x121: {  	v7 =	vld [tilespmem:s24+$0x20];
	[tilespmem:s25+$0xFFFFFF30] =	vst v3;
	v3 =	vadd.f32 v12, v11  }
0x122: {  	v8 =	vld [tilespmem:s26+$0x30];
	v2 =	vadd.f32 v2, v17;
	[tilespmem:s25+$0xFFFFFF40] =	vst v1  }
0x123: {  	v62 =	vld [tilespmem:s26+$0x40];
	v1 =	vadd.f32 v14, v13;
	[tilespmem:s25+$0xFFFFFF50] =	vst v3  }
0x124: {  	v63 =	vld [tilespmem:s24+$0x40];
	v3 =	vadd.f32 v16, v15;
	[tilespmem:s25+$0x0] =	vst v2  }
0x125: {  	v4 =	vadd.f32 v5, v4;
	[tilespmem:s25+$0xFFFFFF60] =	vst v1;
	v1 =	vld [tilespmem:s26+$0x50]  }
0x126: {  	v5 =	vadd.f32 v7, v6;
	[tilespmem:s25+$0xFFFFFF70] =	vst v3;
	v3 =	vld [tilespmem:s24+$0x50]  }
0x127: {  	v6 =	vadd.f32 v61, v8;
	v2 =	vld [tilespmem:s26+$0x60];
	[tilespmem:s25+$0x10] =	vst v4  }
0x128: {  	[tilespmem:s25+$0x20] =	vst v5;
	v5 =	vld [tilespmem:s24+$0x60]  }
0x129: {  	s28 =	simm.s32 $0x0;
	v4 =	vld [tilespmem:s26+$0xFFFFFF00];
	[tilespmem:s25+$0x30] =	vst v6;
	v6 =	vadd.f32 v63, v62;
	s26 =	simm.s32 $0xA580  }
.LBB2_13:
0x12a: {  	v7 =	vld [tilespmem:s26+$0x70];
	s24 =	sadd.s32 $0x100, s24  }
0x12b: {  	s28 =	sadd.s32 $0x10, s28;
	v8 =	vld [tilespmem:s24+$0x70];
	[tilespmem:s25+$0x40] =	vst v6;
	v1 =	vadd.f32 v3, v1  }
0x12c: {  	p0 =	slt.u32 s28, $0x350;
	v3 =	vld [tilespmem:s24+$0xFFFFFF80]  }
0x12d: {  	v6 =	vld [tilespmem:s26+$0xFFFFFF10];
	[tilespmem:s25+$0x50] =	vst v1;
	v1 =	vadd.f32 v5, v2  }
0x12e: {  	v2 =	vld [tilespmem:s24+$0xFFFFFF90];
	v9 =	vadd.f32 v0, v4  }
0x12f: {  	v4 =	vld [tilespmem:s26+$0xFFFFFF20];
	[tilespmem:s25+$0x60] =	vst v1  }
0x130: {  	v1 =	vld [tilespmem:s24+$0xFFFFFFA0];
	v5 =	vadd.f32 v8, v7;
	[tilespmem:s25+$0xFFFFFF00] =	vst v9  }
0x131: {  	s25 =	sadd.s32 $0x200, s25;
	v7 =	vld [tilespmem:s26+$0xFFFFFF30];
	v0 =	vmov v3  }
0x132: {  	v3 =	vld [tilespmem:s24+$0xFFFFFFB0];
	[tilespmem:s25+$0x70] =	vst v5  }
0x133: {  	v2 =	vadd.f32 v2, v6;
	v5 =	vld [tilespmem:s26+$0xFFFFFF40]  }
0x134: {  	v6 =	vld [tilespmem:s24+$0xFFFFFFC0]  }
0x135: {  	[tilespmem:s25+$0xFFFFFF10] =	vst v2;
	v1 =	vadd.f32 v1, v4;
	v2 =	vld [tilespmem:s26+$0xFFFFFF50]  }
0x136: {  	v4 =	vld [tilespmem:s24+$0xFFFFFFD0]  }
0x137: {  	[tilespmem:s25+$0xFFFFFF20] =	vst v1;
	v1 =	vadd.f32 v3, v7;
	v3 =	vld [tilespmem:s26+$0xFFFFFF60]  }
0x138: {  	v7 =	vld [tilespmem:s24+$0xFFFFFFE0]  }
0x139: {  	[tilespmem:s25+$0xFFFFFF30] =	vst v1;
	v1 =	vadd.f32 v6, v5;
	v5 =	vld [tilespmem:s26+$0xFFFFFF70]  }
0x13a: {  	v6 =	vld [tilespmem:s24+$0xFFFFFFF0]  }
0x13b: {  	[tilespmem:s25+$0xFFFFFF40] =	vst v1;
	v1 =	vadd.f32 v4, v2;
	v2 =	vld [tilespmem:s26+$0x0]  }
0x13c: {  	v4 =	vld [tilespmem:s24+$0x0]  }
0x13d: {  	[tilespmem:s25+$0xFFFFFF50] =	vst v1;
	v1 =	vadd.f32 v7, v3;
	v3 =	vld [tilespmem:s26+$0x10]  }
0x13e: {  	v7 =	vld [tilespmem:s24+$0x10]  }
0x13f: {  	[tilespmem:s25+$0xFFFFFF60] =	vst v1;
	v1 =	vadd.f32 v6, v5;
	v5 =	vld [tilespmem:s26+$0x20]  }
0x140: {  	v6 =	vld [tilespmem:s24+$0x20]  }
0x141: {  	[tilespmem:s25+$0xFFFFFF70] =	vst v1;
	v1 =	vadd.f32 v4, v2;
	v2 =	vld [tilespmem:s26+$0x30]  }
0x142: {  	v4 =	vld [tilespmem:s24+$0x30]  }
0x143: {  	[tilespmem:s25+$0x0] =	vst v1;
	v1 =	vadd.f32 v7, v3;
	v7 =	vld [tilespmem:s26+$0x40]  }
0x144: {  	v8 =	vld [tilespmem:s24+$0x40]  }
.Ltmp8:
0x145: {  	[tilespmem:s25+$0x10] =	vst v1;
	v5 =	vadd.f32 v6, v5;
	v1 =	vld [tilespmem:s26+$0x50];
	(pc) =	sbr.rel @p0 .LBB2_13-.Ltmp8, $4  }
0x146: {  	v3 =	vld [tilespmem:s24+$0x50]  }
0x147: {  	[tilespmem:s25+$0x20] =	vst v5;
	v6 =	vadd.f32 v4, v2;
	v2 =	vld [tilespmem:s26+$0x60]  }
0x148: {  	v5 =	vld [tilespmem:s24+$0x60]  }
0x149: {  	v4 =	vld [tilespmem:s26+$0xFFFFFF00];
	[tilespmem:s25+$0x30] =	vst v6;
	v6 =	vadd.f32 v8, v7;
	s26 =	sadd.s32 $0x200, s26  }
0x14a: {  	_ =	sdelay $0x1  }
0x14b: {  	p0 =	seq.s32 s21, $0xF;
	v1 =	vadd.f32 v3, v1  }
.Ltmp9:
0x14c: {  	[tilespmem:s25+$0x40] =	vst v6;
	v2 =	vadd.f32 v5, v2;
	(pc) =	sbr.rel @p0 .LBB2_16-.Ltmp9, $4  }
0x14d: {  	[tilespmem:s25+$0x50] =	vst v1;
	v0 =	vadd.f32 v0, v4  }
0x14e: {  	s23 =	sadd.s32 s23, s5;
	[tilespmem:s25+$0x60] =	vst v2  }
0x14f: {  	s23 =	sadd.s32 $0x20, s23;
	[tilespmem:s25+$0xFFFFFF00] =	vst v0  }
0x150: {  	[hbm4b:s23+s10] =	stream.strided.scatter [tilespmem:s19], [sflag:$0x4], $0x6C00, s11, s10, $0x38;
	[tilespmem:$0x1E600] =	vst v63  }
0x151: {  	s22 =	sadd.s32 $0x3, s22  }
0x152: {  	s23 =	sshrl.u32 s22, $0x2  }
0x153: {  	s23 =	smul.u32 $0x360000, s23  }
0x154: {  	s22 =	sshll.u32 s22, $0x8  }
.Ltmp10:
0x155: {  	s22 =	sand.u32 $0x300, s22;
	s23 =	sadd.s32 s4, s23;
	(pc) =	sbr.rel .LBB2_2-.Ltmp10, $4  }
0x156: {  	s22 =	sor.u32 s22, s23  }
0x157: {  	s22 =	sshrl.u32 s22, $0x3  }
0x158: {  	s21 =	sadd.s32 $0x1, s21;
	s22 =	sadd.s32 s2, s22  }
0x159: {  	[tilespmem:s13], [sflag:$0x2] =	stream.strided.gather [hbm4b:s22+s10], $0x6C00, s11, s10, $0x38;
	[tilespmem:$0x1E600] =	vst v63  }
.LBB2_17:
0x15a: {  	_ =	sfence.sel $0x180000  }
0x15b: {  	[bflag:$0x0] =	sbarrier.arrive $0xFFFF  }
0x15c: {  	p0 =	sne.s32 s0, $0x0;
	_ =	strace $0x9000004A  }
0x15d: {  	s0 =	sadd.s32 @!p0 $0x100000, s1;
	[bflag:$0x2] =	sbarrier.arrive $0xFFFF  }
0x15e: {  	[sflag:s0] =	ssyncadd.tile.s32 @!p0 $0x1;
	_ =	shalt  }
.Lfunc_end2:
_tile_overlayer_lowered:
.L_overlay_start_2:
0x15f: {  	(tag) =	ssettag $0x2  }
0x160: {  	s0 =	rddreg [dreg:$0x0];
	s2 =	stileid.u32  }
0x161: {  	s1 =	rddreg [dreg:$0x1];
	p0 =	sne.s32 s2, $0x0  }
0x162: {  	s3 =	rddreg [dreg:$0x2];
	[bflag:$0x3] =	sbarrier.arrive $0xFFFF;
	s2 =	simm.s32 @!p0 $0x1C05  }
0x163: {  	[timem:s3], [sflag:s2] =	dma.local @!p0 [hbm:s0], s1  }
0x164: {  	s0 =	simm.s32 @!p0 $0x5  }
0x165: {  	_ =	swait.ge @!p0 [sflag:s0], s1  }
0x166: {  	s1 =	ssub.s32 @!p0 $0x0, s1;
	[sflag:s0] =	ssyncset.done @!p0 $0x0  }
0x167: {  	[sflag:s0] =	ssyncadd.s32 @!p0 s1  }
0x168: {  	[bflag:$0x3] =	sbarrier.arrive $0xFFFF  }
0x169: {  	_ =	shalt  }

// kernel: sparse-core-data-format-call.1.cloned.1.call-start
scs
called_computation.1_lowered:
.L_overlay_start_0:
0x0: {  	s2 =	sld [smem:$0x3FD9]  }
0x1: {  	s3 =	sld [smem:$0x3FFE];
	_ =	sdelay $0x1  }
0x2: {  	s1 =	srdreg.scid  }
0x3: {  	s0 =	sand.u32 $0x1, s1  }
0x4: {  	s19 =	sshll.u32 s0, $0xA;
	s2 =	sadd.s32 s3, s2  }
0x5: {  	s2 =	sadd.s32 s2, s19  }
0x6: {  	[smem:$0x3FC6] =	sst s2  }
0x7: {  	_ = 	snop  }
0x8: {  	s2 =	sld [smem:$0x3FC9]  }
0x9: {  	s20 =	sld [smem:$0x3FD0];
	(tm) =	ssettm $0x1  }
0xa: {  	s4 =	sld [smem:$0x3FFB];
	_ =	sdelay $0x3  }
0xb: {  	_ =	strace s4  }
0xc: {  	s4 =	sld [smem:$0x3FFC];
	_ =	sdelay $0x3  }
0xd: {  	_ =	strace s4  }
0xe: {  	s4 =	sld [smem:$0x3FFD];
	_ =	sdelay $0x3  }
0xf: {  	_ =	strace s4  }
0x10: {  	_ =	strace $0x8FFFFFFF  }
0x11: {  	s21 =	sld [smem:$0x3FDB];
	_ =	sdelay $0x1  }
0x12: {  	s5 =	simm.s32 $_scs_section_size  }
0x13: {  	s6 =	simm.s32 $_size__tile_overlayer_lowered;
	s7 =	simm.s32 $_tile_overlayer_lowered  }
0x14: {  	s24 =	simm.s32 $0x1BFF;
	s23 =	sshll.u32 s7, $0x1;
	s4 =	sadd.s32 s5, s21  }
0x15: {  	s8 =	simm.s32 $0x0;
	s22 =	sshll.u32 s6, $0x1;
	s6 =	sadd.s32 s23, s4  }
0x16: {  	[timem:s8], [sflag:s24] =	dma.local [hbm:s6], s22  }
0x17: {  	_ =	swait.ge [sflag:s24], s22  }
0x18: {  	s5 =	ssub.s32 $0x0, s22;
	[sflag:s24] =	ssyncset.done $0x0  }
0x19: {  	[sflag:s24] =	ssyncadd.s32 s5;
	_ =	sdelay $0x1  }
0x1a: {  	s25 =	simm.s32 $0x1B8B  }
0x1b: {  	_ =	swait.ge [sflag:s25], $0x1  }
0x1c: {  	[sflag:s25] =	ssyncset.done $0x0  }
0x1d: {  	s26 =	simm.s32 $0x1B8E;
	[sflag:s25] =	ssyncadd.s32 $0xFFFFFFFF  }
0x1e: {  	s27 =	simm.s32 $execute0_lowered;
	[smem:$0x3FD2] =	sst s26  }
0x1f: {  	s5 =	sshll.u32 s27, $0x1;
	_ =	strace $0x80000046;
	[dreg:$0x1] =	wrdreg $0xFFFFFFFF  }
0x20: {  	s28 =	simm.s32 $_size_execute0_lowered;
	s4 =	sadd.s32 s4, s5;
	[dreg:$0x0] =	wrdreg $0x0  }
0x21: {  	s5 =	sshll.u32 s28, $0x1;
	[dreg:$0x2] =	wrdreg s4  }
0x22: {  	[dreg:$0x3] =	wrdreg s5  }
0x23: {  	[dreg:$0x4] =	wrdreg $0xC0  }
0x24: {  	_ =	task [dreg:s8], $0x5FFFF  }
0x25: {  	[dreg:$0x1] =	wrdreg $0xFFFFFFFF  }
0x26: {  	[dreg:$0x0] =	wrdreg $0x60  }
0x27: {  	[dreg:$0x2] =	wrdreg s2  }
0x28: {  	[dreg:$0x3] =	wrdreg s20  }
0x29: {  	[dreg:$0x4] =	wrdreg $0x9  }
0x2a: {  	_ =	task.clear_ibuf [dreg:s8], $0x5FFFF;
	_ =	strace $0x90000046  }
0x2b: {  	s29 =	simm.s32 $0x9;
	_ =	strace $0x80000048  }
0x2c: {  	_ =	swait.ge [sflag:s29], $0x1  }
0x2d: {  	[sflag:s29] =	ssyncadd.s32 $0xFFFFFFFF  }
0x2e: {  	_ =	strace $0x90000048  }
0x2f: {  	_ =	sfence  }
0x30: {  	s30 =	sld [smem:$0x0];
	_ =	sdelay $0x2  }
0x31: {  	s31 =	sshll.u32 s1, $0xD;
	s1 =	sshrl.u32 s1, $0x2  }
0x32: {  	s3 =	sand.u32 $0x4000, s31;
	s1 =	sadd.s32 s1, s30  }
0x33: {  	s0 =	sor.u32 s3, s0;
	s1 =	sshll.u32 s1, $0x11  }
0x34: {  	s0 =	sor.u32 s1, s0  }
0x35: {  	s0 =	sadd.s32 $0x8F2B, s0  }
0x36: {  	[sflag:s0] =	ssyncadd.remote.s32 $0x1  }
0x37: {  	_ =	sfence.sel $0xFFFF  }
0x38: {  	[dreg:$0x0] =	wrdreg $0xFFFFFFFF;
	(pc) =	sbr.abs _section_cstart, $3  }
0x39: {  	[dreg:$0x1] =	wrdreg $0xFFFFFFFF  }
0x3a: {  	_ =	task.clear_ibuf [dreg:s8], $0x2FFFF;
	_ =	strace $0x9FFFFFFF  }
0x3b: {  	(tm) =	ssettm $0x7FFFFFFF  }
tec
execute0_lowered:
.L_overlay_start_1:
0x0: {  	(tag) =	ssettag $0x1  }
0x1: {  	s0 =	srdreg.scid;
	s3 =	rddreg [dreg:$0x0]  }
0x2: {  	s7 =	stileid.u32;
	s4 =	rddreg [dreg:$0x1];
	s0 =	sshll.u32 s0, $0x4  }
0x3: {  	_ =	strace $0x80000047;
	s5 =	simm.s32 $0x1;
	s0 =	sor.u32 s7, s0  }
0x4: {  	s31 =	simm.s32 $0x2;
	s17 =	simm.s32 $0x0;
	s2 =	sand.u32 $0x18, s0  }
0x5: {  	s9 =	simm.s32 $0x1800;
	s10 =	simm.s32 $0x0;
	s0 =	ssub.s32 $0x240, s2  }
0x6: {  	s16 =	simm.s32 $0x0;
	s19 =	simm.s32 $0x0;
	s1 =	sand.u32 $0x18, s0  }
0x7: {  	s18 =	simm.s32 $0x0;
	p0 =	sne.s32 s1, $0x0;
	s1 =	simm.s32 $0x1  }
.Ltmp0:
0x8: {  	s0 =	sshrl.u32 s0, $0x5;
	s1 =	simm.s32 @!p0 $0x0;
	(pc) =	sbr.rel .LBB1_1-.Ltmp0, $4  }
0x9: {  	s11 =	simm.s32 $0x0;
	s13 =	simm.s32 $0x0;
	s0 =	sadd.s32 s1, s0  }
0xa: {  	s15 =	simm.s32 $0x0;
	[sflag:s5] =	ssyncpa.u1 $0x0;
	s6 =	smul.u32 $0x3, s0  }
0xb: {  	s25 =	simm.s32 $0x0;
	s7 =	sand.u32 $0x7, s7;
	[sflag:s31] =	ssyncpa.u1 $0x0  }
0xc: {  	s14 =	smov.u32 s7;
	s12 =	smov.u32 s2;
	s8 =	sadd.s32 $0x1, s6  }
.LBB1_7:
0xd: {  	s0 =	sadd.s32 $0x100, s11  }
0xe: {  	s1 =	sadd.s32 $0x20, s12;
	s20 =	smov.u32 s12;
	p1 =	sgt.s32 s0, $0x2FF  }
0xf: {  	s20 =	smov.u32 @p1 s1  }
0x10: {  	s21 =	smov.u32 s13;
	s1 =	sadd.s32 $0x8, s13;
	p2 =	sgt.s32 s20, $0x23F  }
0x11: {  	s21 =	smov.u32 @p2 s1  }
0x12: {  	s22 =	smov.u32 s14;
	s1 =	sadd.s32 $0x8, s14;
	p3 =	sgt.s32 s21, $0x7  }
0x13: {  	p0 =	slt.u32 s15, $0x2;
	s22 =	smov.u32 @p3 s1  }
0x14: {  	s17 =	smov.u32 s11;
	s0 =	simm.s32 @p1 $0x0;
	p1 =	sgt.s32 s22, $0x7  }
0x15: {  	s16 =	smov.u32 s12;
	s22 =	smov.u32 @p1 s7;
	p1 =	sne.s32 s15, s8  }
.Ltmp1:
0x16: {  	s19 =	smov.u32 s13;
	s18 =	smov.u32 s14;
	(pc) =	sbr.rel @!p1 .LBB1_8-.Ltmp1, $4  }
0x17: {  	s10 =	sadd.s32 $0x4000, s10;
	s11 =	smov.u32 s0;
	s1 =	simm.s32 @!p0 $0x2  }
0x18: {  	s20 =	smov.u32 @p2 s2;
	s21 =	simm.s32 @p3 $0x0;
	_ =	swait.ge @!p0 [sflag:s1], $0x4000  }
0x19: {  	s12 =	smov.u32 s20;
	s13 =	smov.u32 s21;
	[sflag:s1] =	ssyncset.done @!p0 $0x0  }
0x1a: {  	s15 =	sadd.s32 $0x1, s15;
	[sflag:s1] =	ssyncadd.s32 @!p0 $0xFFFFC000;
	s14 =	smov.u32 s22  }
.LBB1_1:
0x1b: {  	p0 =	sge.u32 s15, s6  }
0x1c: {  	s0 =	sshrl.u32 @!p0 s12, $0x3  }
0x1d: {  	s1 =	sshll.u32 @!p0 s11, $0x3;
	s0 =	smul.u32 @!p0 $0x1800, s0  }
0x1e: {  	s20 =	sshll.u32 @!p0 s12, $0x7;
	s1 =	sand.u32 @!p0 $0xFFFFFC00, s1  }
0x1f: {  	s0 =	sadd.s32 @!p0 s0, s1;
	s1 =	sand.u32 @!p0 $0x380, s20  }
0x20: {  	s20 =	sand.u32 @!p0 $0x7F, s11;
	s0 =	sor.u32 @!p0 s1, s0  }
0x21: {  	s1 =	sor.u32 @!p0 s20, s0;
	s0 =	smulhi.u32 @!p0 $0xAAAAAAAB, s0;
	_ =	sdelay $0x1  }
0x22: {  	s20 =	smulhi.u32 @!p0 $0xAAAAAAAB, s1;
	s0 =	sshrl.u32 @!p0 s0, $0x9  }
0x23: {  	s21 =	smulhi.u32 @!p0 $0x71C71D, s0  }
0x24: {  	s23 =	smul.u32 @!p0 $0x6C000, s14  }
0x25: {  	s20 =	sshrl.u32 @!p0 s20, $0x9;
	s21 =	smul.u32 @!p0 $0x240, s21  }
0x26: {  	s31 =	sadd.s32 $0xFFFFFFFF, s15;
	s22 =	sxor.u32 @!p0 $0xFFFFFFFF, s15;
	s20 =	smul.u32 @!p0 $0x300, s20  }
0x27: {  	s22 =	sshll.u32 @!p0 s22, $0xE;
	s0 =	ssub.s32 @!p0 s0, s21;
	s21 =	smul.u32 @!p0 $0xD800, s13  }
0x28: {  	s1 =	ssub.s32 @!p0 s1, s20;
	s20 =	sadd.s32 @!p0 s3, s23;
	s0 =	smul.u32 @!p0 $0x60, s0  }
0x29: {  	s22 =	sand.u32 @!p0 $0x4000, s22;
	s20 =	sadd.s32 @!p0 s21, s20;
	s21 =	sand.u32 @!p0 $0x7, s1  }
0x2a: {  	s1 =	sshrl.u32 @!p0 s1, $0x3;
	s0 =	sadd.s32 @!p0 s0, s20;
	s20 =	sshll.u32 @!p0 s21, $0x12  }
0x2b: {  	s0 =	sadd.s32 @!p0 s1, s0;
	s1 =	sor.u32 @!p0 $0x800, s20;
	s20 =	simm.s32 @!p0 $0x6C000  }
0x2c: {  	[tilespmem:s22], [sflag:$0x1] =	stream.strided.gather @!p0 [hbm4b:s0+s1], $0x4000, s20, s1, $0x38;
	[tilespmem:$0x10000] =	vst v63  }
0x2d: {  	p0 =	sge.u32 s31, s6  }
.Ltmp2:
0x2e: {  	_ = 	snop;
	(pc) =	sbr.rel @p0 .LBB1_7-.Ltmp2, $1  }
0x2f: {  	_ =	sdelay $0x3  }
0x30: {  	s0 =	sshll.u32 s10, $0x2;
	_ =	swait.ge [sflag:s5], $0x4000;
	s1 =	sshll.u32 s15, $0xE  }
0x31: {  	p0 =	por $0x0, $0x0;
	s26 =	simm.s32 $0x0;
	s27 =	simm.s32 $0x0  }
0x32: {  	s0 =	sand.u32 $0x10000, s0;
	[sflag:s5] =	ssyncset.done $0x0;
	s23 =	sand.u32 $0x4000, s1  }
0x33: {  	s0 =	sshrl.u32 s0, $0x2;
	[sflag:s5] =	ssyncadd.s32 $0xFFFFC000;
	s20 =	sor.u32 $0x8000, s23  }
0x34: {  	s21 =	sor.u32 $0x40, s0;
	s22 =	sor.u32 $0x8410, s0;
	s24 =	sadd.s32 $0x8400, s0  }
.LBB1_3:
0x35: {  	v1 =	vld [tilespmem:s21+$0xFFFFFFD0]  }
0x36: {  	v2 =	vld [tilespmem:s21+$0x430]  }
0x37: {  	s0 =	sshll.u32 s27, $0xB;
	v4 =	vld [tilespmem:s21+$0xFFFFFFE0]  }
0x38: {  	v7 =	vld [tilespmem:s21+$0xFFFFFFF0];
	v0 =	vmov s0  }
0x39: {  	v8 =	vld [tilespmem:s21+$0x0]  }
0x3a: {  	v9 =	vld [tilespmem:s21+$0x10];
	s0 =	sand.u32 $0x300, s25  }
0x3b: {  	s1 =	sand.u32 $0x80, s25;
	v10 =	vld [tilespmem:s21+$0x20];
	s0 =	sadd.s32 s0, s23  }
0x3c: {  	v11 =	vld [tilespmem:s21+$0x30];
	s0 =	sadd.s32 s1, s0;
	s1 =	simm.s32 $0x1;
	[tilespmem:s22+$0x60] =	vst v2  }
0x3d: {  	s1 =	simm.s32 @!p0 $0x0;
	[tilespmem:s22+$0xFFFFFC00] =	vst v1;
	v3 =	vld.idx.msk [tilespmem:v0+s0+$0x400 ss:$0x1], $0xffff;
	s0 =	sshll.u32 s26, $0x2  }
0x3e: {  	v6 =	vld [tilespmem:s21+$0x3D0];
	s1 =	sshll.u32 s1, $0x9;
	[tilespmem:s22+$0xFFFFFC10] =	vst v4;
	s0 =	sand.u32 $0xFFFFFC00, s0  }
0x3f: {  	v5 =	vld [tilespmem:s21+$0x3E0];
	[tilespmem:s22+$0xFFFFFC20] =	vst v7;
	s0 =	sor.u32 s1, s0  }
0x40: {  	[tilespmem:s22+$0xFFFFFC30] =	vst v8;
	v4 =	vld [tilespmem:s21+$0x400];
	s0 =	sshrl.u32 s0, $0x2  }
0x41: {  	[tilespmem:s22+$0xFFFFFC40] =	vst v9;
	v1 =	vld [tilespmem:s21+$0x410];
	s28 =	sadd.s32 s0, s24  }
0x42: {  	[tilespmem:s28+$0x0] =	vst v3;
	v3 =	vld [tilespmem:s21+$0x3F0]  }
0x43: {  	s31 =	simm.s32 $0x100;
	[tilespmem:s22+$0xFFFFFC50] =	vst v10;
	v2 =	vld [tilespmem:s21+$0x420];
	s1 =	simm.s32 $0x80  }
0x44: {  	s29 =	sadd.s32 $0x80, s21;
	s30 =	smov.u32 s22;
	v7 =	vld [tilespmem:s21+$0xFFFFFFC0];
	[tilespmem:s22+$0xFFFFFC60] =	vst v11;
	s0 =	sand.u32 $0x300, s1  }
.LBB1_4:
0x45: {  	p1 =	sne.s32 s31, $0x380;
	v8 =	vld [tilespmem:s29+$0xFFFFFFD0];
	s1 =	sand.u32 $0x80, s1;
	s0 =	sadd.s32 s0, s23;
	[tilespmem:s30+$0x0] =	vst v6  }
0x46: {  	s0 =	sadd.s32 s1, s0;
	v6 =	vld [tilespmem:s29+$0x430];
	[tilespmem:s30+$0x10] =	vst v5;
	s1 =	smov.u32 s31  }
0x47: {  	v5 =	vld.idx.msk [tilespmem:v0+s0+$0x400 ss:$0x1], $0xffff;
	[tilespmem:s30+$0x20] =	vst v3  }
0x48: {  	v3 =	vld [tilespmem:s29+$0xFFFFFFE0];
	[tilespmem:s30+$0x30] =	vst v4  }
0x49: {  	v4 =	vld [tilespmem:s29+$0xFFFFFFF0];
	[tilespmem:s30+$0xFFFFFBF0] =	vst v7  }
0x4a: {  	v7 =	vld [tilespmem:s29+$0x0];
	[tilespmem:s30+$0x40] =	vst v1  }
0x4b: {  	v1 =	vld [tilespmem:s29+$0x10];
	[tilespmem:s30+$0x50] =	vst v2;
	s30 =	sadd.s32 $0x800, s30  }
0x4c: {  	s28 =	sadd.s32 $0x800, s28;
	v2 =	vld [tilespmem:s29+$0x20];
	[tilespmem:s30+$0x60] =	vst v6  }
0x4d: {  	v9 =	vld [tilespmem:s29+$0x30];
	[tilespmem:s28+$0x0] =	vst v5  }
0x4e: {  	[tilespmem:s30+$0xFFFFFC00] =	vst v8;
	v6 =	vld [tilespmem:s29+$0x3D0]  }
0x4f: {  	[tilespmem:s30+$0xFFFFFC10] =	vst v3;
	v5 =	vld [tilespmem:s29+$0x3E0]  }
.Ltmp3:
0x50: {  	[tilespmem:s30+$0xFFFFFC20] =	vst v4;
	v3 =	vld [tilespmem:s29+$0x3F0];
	(pc) =	sbr.rel @p1 .LBB1_4-.Ltmp3, $4  }
0x51: {  	[tilespmem:s30+$0xFFFFFC30] =	vst v7;
	v4 =	vld [tilespmem:s29+$0x400]  }
0x52: {  	[tilespmem:s30+$0xFFFFFC40] =	vst v1;
	v1 =	vld [tilespmem:s29+$0x410]  }
0x53: {  	[tilespmem:s30+$0xFFFFFC50] =	vst v2;
	v2 =	vld [tilespmem:s29+$0x420]  }
0x54: {  	s31 =	sadd.s32 $0x80, s31;
	s0 =	sand.u32 $0x300, s1;
	v7 =	vld [tilespmem:s29+$0xFFFFFFC0];
	[tilespmem:s30+$0xFFFFFC60] =	vst v9;
	s29 =	sadd.s32 $0x80, s29  }
0x55: {  	[tilespmem:s30+$0x0] =	vst v6  }
0x56: {  	[tilespmem:s30+$0x10] =	vst v5  }
0x57: {  	v49 =	vld [tilespmem:s29+$0x430];
	[tilespmem:s30+$0x20] =	vst v3  }
0x58: {  	v50 =	vld [tilespmem:s29+$0xFFFFFFD0];
	[tilespmem:s30+$0x30] =	vst v4  }
0x59: {  	v51 =	vld [tilespmem:s29+$0xFFFFFFE0];
	[tilespmem:s30+$0x40] =	vst v1  }
0x5a: {  	v52 =	vld [tilespmem:s29+$0xFFFFFFF0];
	[tilespmem:s30+$0x50] =	vst v2  }
0x5b: {  	v53 =	vld [tilespmem:s29+$0x0];
	[tilespmem:s30+$0xFFFFFBF0] =	vst v7;
	s30 =	sadd.s32 $0x800, s30  }
0x5c: {  	v54 =	vld [tilespmem:s29+$0x10];
	[tilespmem:s30+$0x60] =	vst v49  }
0x5d: {  	v55 =	vld [tilespmem:s29+$0x20];
	[tilespmem:s30+$0xFFFFFC00] =	vst v50  }
0x5e: {  	v56 =	vld [tilespmem:s29+$0x30];
	[tilespmem:s30+$0xFFFFFC10] =	vst v51  }
0x5f: {  	v57 =	vld [tilespmem:s29+$0x3D0];
	[tilespmem:s30+$0xFFFFFC20] =	vst v52  }
0x60: {  	v58 =	vld [tilespmem:s29+$0x3E0];
	[tilespmem:s30+$0xFFFFFC30] =	vst v53  }
0x61: {  	v59 =	vld [tilespmem:s29+$0x3F0];
	[tilespmem:s30+$0xFFFFFC40] =	vst v54  }
0x62: {  	v60 =	vld [tilespmem:s29+$0x400];
	[tilespmem:s30+$0xFFFFFC50] =	vst v55  }
0x63: {  	v61 =	vld [tilespmem:s29+$0xFFFFFFC0];
	[tilespmem:s30+$0xFFFFFC60] =	vst v56  }
0x64: {  	s1 =	sand.u32 $0x80, s1;
	s0 =	sadd.s32 s0, s23;
	v62 =	vld [tilespmem:s29+$0x410];
	[tilespmem:s30+$0x0] =	vst v57  }
0x65: {  	v63 =	vld [tilespmem:s29+$0x420];
	s27 =	sadd.s32 $0x1, s27;
	s0 =	sadd.s32 s1, s0;
	[tilespmem:s30+$0x10] =	vst v58  }
0x66: {  	p1 =	sne.s32 s27, $0x8;
	v0 =	vld.idx.msk [tilespmem:v0+s0+$0x400 ss:$0x1], $0xffff;
	[tilespmem:s30+$0x20] =	vst v59  }
.Ltmp4:
0x67: {  	[tilespmem:s30+$0x30] =	vst v60;
	(pc) =	sbr.rel @p1 .LBB1_3-.Ltmp4, $4  }
0x68: {  	[tilespmem:s30+$0xFFFFFBF0] =	vst v61  }
0x69: {  	[tilespmem:s30+$0x40] =	vst v62  }
0x6a: {  	s31 =	sadd.s32 $0x800, s28;
	s21 =	sadd.s32 $0x800, s21;
	[tilespmem:s30+$0x50] =	vst v63  }
0x6b: {  	s26 =	sadd.s32 $0x80, s26;
	p0 =	por !p0, !p0;
	s22 =	sadd.s32 $0x80, s22;
	[tilespmem:s31+$0x0] =	vst v0  }
0x6c: {  	s0 =	sshrl.u32 s19, $0x3  }
0x6d: {  	s1 =	sshll.u32 s17, $0x3;
	s0 =	smul.u32 $0x1800, s0  }
0x6e: {  	s24 =	sshll.u32 s19, $0x7;
	s1 =	sand.u32 $0xFFFFFC00, s1  }
0x6f: {  	s26 =	sand.u32 $0x380, s24;
	s0 =	sadd.s32 s0, s1  }
0x70: {  	s27 =	sand.u32 $0x7F, s17;
	s0 =	sor.u32 s26, s0  }
0x71: {  	s1 =	sor.u32 s27, s0;
	s0 =	smulhi.u32 $0xAAAAAAAB, s0  }
0x72: {  	s17 =	smulhi.u32 $0xAAAAAAAB, s1  }
0x73: {  	s18 =	smul.u32 $0x6C000, s18  }
0x74: {  	s16 =	smul.u32 $0x300, s16;
	s0 =	sshrl.u32 s0, $0x9;
	s17 =	sshrl.u32 s17, $0x9  }
0x75: {  	s0 =	sand.u32 $0x7, s0;
	s17 =	smul.u32 $0x300, s17  }
0x76: {  	s0 =	smul.u32 $0x60, s0  }
.Ltmp5:
0x77: {  	s28 =	sadd.s32 s4, s18;
	s1 =	ssub.s32 s1, s17;
	(pc) =	sbr.rel .LBB1_7-.Ltmp5, $4  }
0x78: {  	s16 =	sadd.s32 s16, s28;
	s29 =	sand.u32 $0x7, s1  }
0x79: {  	s0 =	sadd.s32 s0, s16;
	s1 =	sshrl.u32 s1, $0x3;
	s30 =	sshll.u32 s29, $0x12  }
0x7a: {  	s0 =	sadd.s32 s1, s0;
	s31 =	sor.u32 $0x800, s30  }
0x7b: {  	[hbm4b:s0+s31] =	stream.strided.scatter [tilespmem:s20], [sflag:$0x2], $0x4000, s9, s31, $0x38;
	[tilespmem:$0x10000] =	vst v63  }
.LBB1_8:
0x7c: {  	_ =	sfence.sel $0x180000  }
0x7d: {  	s0 =	simm.s32 $0x1;
	[bflag:$0x0] =	sbarrier.arrive $0xFFFF  }
0x7e: {  	s30 =	simm.s32 $0x2;
	[sflag:s0] =	ssyncpa.u1 $0x1  }
0x7f: {  	[sflag:s30] =	ssyncpa.u1 $0x1  }
0x80: {  	_ =	strace $0x90000047  }
0x81: {  	s31 =	stileid.u32;
	[bflag:$0x2] =	sbarrier.arrive $0xFFFF  }
0x82: {  	p0 =	sne.s32 s31, $0x0;
	s0 =	rddreg [dreg:$0x2]  }
0x83: {  	s0 =	sadd.s32 @!p0 $0x100000, s0  }
0x84: {  	[sflag:s0] =	ssyncadd.tile.s32 @!p0 $0x1;
	_ =	shalt  }
.Lfunc_end1:
_tile_overlayer_lowered:
.L_overlay_start_2:
0x85: {  	(tag) =	ssettag $0x2  }
0x86: {  	s0 =	rddreg [dreg:$0x0];
	s2 =	stileid.u32  }
0x87: {  	s1 =	rddreg [dreg:$0x1];
	p0 =	sne.s32 s2, $0x0  }
0x88: {  	s3 =	rddreg [dreg:$0x2];
	[bflag:$0x3] =	sbarrier.arrive $0xFFFF;
	s2 =	simm.s32 @!p0 $0x1C01  }
0x89: {  	[timem:s3], [sflag:s2] =	dma.local @!p0 [hbm:s0], s1  }
0x8a: {  	s0 =	simm.s32 @!p0 $0x1  }
0x8b: {  	_ =	swait.ge @!p0 [sflag:s0], s1  }
0x8c: {  	s1 =	ssub.s32 @!p0 $0x0, s1;
	[sflag:s0] =	ssyncset.done @!p0 $0x0  }
0x8d: {  	[sflag:s0] =	ssyncadd.s32 @!p0 s1  }
0x8e: {  	[bflag:$0x3] =	sbarrier.arrive $0xFFFF  }
0x8f: {  	_ =	shalt  }

// kernel: sparse-core-data-format-call.cloned.1.call-start
scs
called_computation_lowered:
.L_overlay_start_0:
0x0: {  	s2 =	sld [smem:$0x3FD9]  }
0x1: {  	s3 =	sld [smem:$0x3FFE];
	_ =	sdelay $0x1  }
0x2: {  	s1 =	srdreg.scid  }
0x3: {  	s0 =	sand.u32 $0x1, s1  }
0x4: {  	s18 =	sshll.u32 s0, $0xA;
	s2 =	sadd.s32 s3, s2  }
0x5: {  	s2 =	sadd.s32 s2, s18  }
0x6: {  	[smem:$0x3FC6] =	sst s2  }
0x7: {  	_ = 	snop  }
0x8: {  	s2 =	sld [smem:$0x3FD0];
	(tm) =	ssettm $0x1  }
0x9: {  	s19 =	sld [smem:$0x3FFB];
	_ =	sdelay $0x3  }
0xa: {  	_ =	strace s19  }
0xb: {  	s3 =	sld [smem:$0x3FFC];
	_ =	sdelay $0x3  }
0xc: {  	_ =	strace s3  }
0xd: {  	s3 =	sld [smem:$0x3FFD];
	_ =	sdelay $0x3  }
0xe: {  	_ =	strace s3  }
0xf: {  	_ =	strace $0x8FFFFFFF  }
0x10: {  	s20 =	sld [smem:$0x3FDB];
	_ =	sdelay $0x1  }
0x11: {  	s4 =	simm.s32 $_scs_section_size  }
0x12: {  	s5 =	simm.s32 $_size__tile_overlayer_lowered;
	s6 =	simm.s32 $_tile_overlayer_lowered  }
0x13: {  	s23 =	simm.s32 $0x1BFF;
	s22 =	sshll.u32 s6, $0x1;
	s3 =	sadd.s32 s4, s20  }
0x14: {  	s7 =	simm.s32 $0x0;
	s21 =	sshll.u32 s5, $0x1;
	s5 =	sadd.s32 s22, s3  }
0x15: {  	[timem:s7], [sflag:s23] =	dma.local [hbm:s5], s21  }
0x16: {  	_ =	swait.ge [sflag:s23], s21  }
0x17: {  	s4 =	ssub.s32 $0x0, s21;
	[sflag:s23] =	ssyncset.done $0x0  }
0x18: {  	[sflag:s23] =	ssyncadd.s32 s4;
	_ =	sdelay $0x1  }
0x19: {  	s24 =	simm.s32 $0x1B8B  }
0x1a: {  	_ =	swait.ge [sflag:s24], $0x1  }
0x1b: {  	[sflag:s24] =	ssyncset.done $0x0  }
0x1c: {  	s26 =	simm.s32 $0x1B8E;
	s25 =	sld [smem:$0x3FFE];
	[sflag:s24] =	ssyncadd.s32 $0xFFFFFFFF  }
0x1d: {  	s27 =	simm.s32 $execute0_lowered;
	[smem:$0x3FD2] =	sst s26  }
0x1e: {  	s5 =	sshll.u32 s27, $0x1;
	_ =	strace $0x8000004C;
	[dreg:$0x1] =	wrdreg $0xFFFFFFFF  }
0x1f: {  	s28 =	simm.s32 $_size_execute0_lowered;
	s3 =	sadd.s32 s3, s5;
	[dreg:$0x0] =	wrdreg $0x0  }
0x20: {  	s5 =	sshll.u32 s28, $0x1;
	[dreg:$0x2] =	wrdreg s3  }
0x21: {  	[dreg:$0x3] =	wrdreg s5  }
0x22: {  	[dreg:$0x4] =	wrdreg $0xC0  }
0x23: {  	_ =	task [dreg:s7], $0x5FFFF  }
0x24: {  	[dreg:$0x1] =	wrdreg $0xFFFFFFFF  }
0x25: {  	[dreg:$0x0] =	wrdreg $0x60  }
0x26: {  	[dreg:$0x2] =	wrdreg s25  }
0x27: {  	[dreg:$0x3] =	wrdreg s2  }
0x28: {  	[dreg:$0x4] =	wrdreg $0x9  }
0x29: {  	_ =	task.clear_ibuf [dreg:s7], $0x5FFFF;
	_ =	strace $0x9000004C  }
0x2a: {  	s29 =	simm.s32 $0x9;
	_ =	strace $0x8000004E  }
0x2b: {  	_ =	swait.ge [sflag:s29], $0x1  }
0x2c: {  	[sflag:s29] =	ssyncadd.s32 $0xFFFFFFFF  }
0x2d: {  	_ =	strace $0x9000004E  }
0x2e: {  	_ =	sfence  }
0x2f: {  	s30 =	sld [smem:$0x0];
	_ =	sdelay $0x2  }
0x30: {  	s31 =	sshll.u32 s1, $0xD;
	s1 =	sshrl.u32 s1, $0x2  }
0x31: {  	s3 =	sand.u32 $0x4000, s31;
	s1 =	sadd.s32 s1, s30  }
0x32: {  	s0 =	sor.u32 s3, s0;
	s1 =	sshll.u32 s1, $0x11  }
0x33: {  	s0 =	sor.u32 s1, s0  }
0x34: {  	s0 =	sadd.s32 $0x8F2B, s0  }
0x35: {  	[sflag:s0] =	ssyncadd.remote.s32 $0x1  }
0x36: {  	_ =	sfence.sel $0xFFFF  }
0x37: {  	[dreg:$0x0] =	wrdreg $0xFFFFFFFF;
	(pc) =	sbr.abs _section_cstart, $3  }
0x38: {  	[dreg:$0x1] =	wrdreg $0xFFFFFFFF  }
0x39: {  	_ =	task.clear_ibuf [dreg:s7], $0x2FFFF;
	_ =	strace $0x9FFFFFFF  }
0x3a: {  	(tm) =	ssettm $0x7FFFFFFF  }
0x3b: {  	_ =	shalt  }
tec
execute0_lowered:
.L_overlay_start_1:
0x0: {  	(tag) =	ssettag $0x1  }
0x1: {  	s0 =	srdreg.scid  }
0x2: {  	s7 =	stileid.u32;
	s6 =	rddreg [dreg:$0x0]  }
0x3: {  	s3 =	rddreg [dreg:$0x1];
	_ =	strace $0x8000004D;
	s0 =	sshll.u32 s0, $0x4  }
0x4: {  	s4 =	simm.s32 $0x1;
	s31 =	simm.s32 $0x2;
	s0 =	sor.u32 s7, s0  }
0x5: {  	s18 =	simm.s32 $0x0;
	s9 =	simm.s32 $0x6C000;
	s2 =	sand.u32 $0x18, s0  }
0x6: {  	s10 =	simm.s32 $0x0;
	s16 =	simm.s32 $0x0;
	s0 =	ssub.s32 $0x240, s2  }
0x7: {  	s19 =	simm.s32 $0x0;
	s17 =	simm.s32 $0x0;
	s1 =	sand.u32 $0x18, s0  }
0x8: {  	s11 =	simm.s32 $0x0;
	p0 =	sne.s32 s1, $0x0;
	s1 =	simm.s32 $0x1  }
.Ltmp0:
0x9: {  	s0 =	sshrl.u32 s0, $0x5;
	s1 =	simm.s32 @!p0 $0x0;
	(pc) =	sbr.rel .LBB1_1-.Ltmp0, $4  }
0xa: {  	s12 =	simm.s32 $0x0;
	s15 =	simm.s32 $0x0;
	s0 =	sadd.s32 s1, s0  }
0xb: {  	s25 =	simm.s32 $0x0;
	[sflag:s4] =	ssyncpa.u1 $0x0;
	s5 =	smul.u32 $0x3, s0  }
0xc: {  	s6 =	sadd.s32 $0xE600, s6;
	s7 =	sand.u32 $0x7, s7;
	[sflag:s31] =	ssyncpa.u1 $0x0  }
0xd: {  	s14 =	smov.u32 s7;
	s13 =	smov.u32 s2;
	s8 =	sadd.s32 $0x1, s5  }
.LBB1_7:
0xe: {  	s0 =	sadd.s32 $0x100, s11  }
0xf: {  	s1 =	sadd.s32 $0x8, s12;
	s20 =	smov.u32 s12;
	p1 =	sgt.s32 s0, $0x2FF  }
0x10: {  	s20 =	smov.u32 @p1 s1  }
0x11: {  	s21 =	smov.u32 s13;
	s1 =	sadd.s32 $0x20, s13;
	p2 =	sgt.s32 s20, $0x7  }
0x12: {  	s21 =	smov.u32 @p2 s1  }
0x13: {  	s22 =	smov.u32 s14;
	s1 =	sadd.s32 $0x8, s14;
	p3 =	sgt.s32 s21, $0x23F  }
0x14: {  	p0 =	slt.u32 s15, $0x2;
	s22 =	smov.u32 @p3 s1  }
0x15: {  	s18 =	smov.u32 s11;
	s0 =	simm.s32 @p1 $0x0;
	p1 =	sgt.s32 s22, $0x7  }
0x16: {  	s16 =	smov.u32 s12;
	s22 =	smov.u32 @p1 s7;
	p1 =	sne.s32 s15, s8  }
.Ltmp1:
0x17: {  	s19 =	smov.u32 s13;
	s17 =	smov.u32 s14;
	(pc) =	sbr.rel @!p1 .LBB1_8-.Ltmp1, $4  }
0x18: {  	s10 =	sadd.s32 $0x4000, s10;
	s11 =	smov.u32 s0;
	s1 =	simm.s32 @!p0 $0x2  }
0x19: {  	s20 =	simm.s32 @p2 $0x0;
	s21 =	smov.u32 @p3 s2;
	_ =	swait.ge @!p0 [sflag:s1], $0x4000  }
0x1a: {  	s12 =	smov.u32 s20;
	s13 =	smov.u32 s21;
	[sflag:s1] =	ssyncset.done @!p0 $0x0  }
0x1b: {  	s15 =	sadd.s32 $0x1, s15;
	[sflag:s1] =	ssyncadd.s32 @!p0 $0xFFFFC000;
	s14 =	smov.u32 s22  }
.LBB1_1:
0x1c: {  	p0 =	sge.u32 s15, s5  }
0x1d: {  	s0 =	sshrl.u32 @!p0 s12, $0x3  }
0x1e: {  	s1 =	sshll.u32 @!p0 s11, $0x3;
	s0 =	smul.u32 @!p0 $0x1800, s0  }
0x1f: {  	s20 =	sshll.u32 @!p0 s12, $0x7;
	s1 =	sand.u32 @!p0 $0xFFFFFC00, s1  }
0x20: {  	s0 =	sadd.s32 @!p0 s0, s1;
	s1 =	sand.u32 @!p0 $0x380, s20  }
0x21: {  	s20 =	sand.u32 @!p0 $0x7F, s11;
	s0 =	sor.u32 @!p0 s1, s0  }
0x22: {  	s1 =	sor.u32 @!p0 s20, s0  }
0x23: {  	s20 =	smulhi.u32 @!p0 $0xAAAAAAAB, s1  }
0x24: {  	s0 =	smulhi.u32 @!p0 $0xAAAAAAAB, s0  }
0x25: {  	s31 =	sadd.s32 $0xFFFFFFFF, s15;
	s22 =	smul.u32 @!p0 $0x6C000, s14;
	s20 =	sshrl.u32 @!p0 s20, $0x9  }
0x26: {  	s21 =	sxor.u32 @!p0 $0xFFFFFFFF, s15;
	s0 =	sshrl.u32 @!p0 s0, $0x9;
	s20 =	smul.u32 @!p0 $0x300, s20  }
0x27: {  	s23 =	smul.u32 @!p0 $0x300, s13;
	s21 =	sshll.u32 @!p0 s21, $0xE;
	s0 =	sand.u32 @!p0 $0x7, s0  }
0x28: {  	s0 =	smul.u32 @!p0 $0x60, s0;
	s1 =	ssub.s32 @!p0 s1, s20;
	s20 =	sadd.s32 @!p0 s6, s22  }
0x29: {  	s21 =	sand.u32 @!p0 $0x4000, s21;
	s20 =	sadd.s32 @!p0 s23, s20;
	s22 =	sand.u32 @!p0 $0x7, s1  }
0x2a: {  	s1 =	sshrl.u32 @!p0 s1, $0x3;
	s0 =	sadd.s32 @!p0 s0, s20;
	s20 =	sshll.u32 @!p0 s22, $0x12  }
0x2b: {  	s0 =	sadd.s32 @!p0 s1, s0;
	s1 =	sor.u32 @!p0 $0x800, s20;
	s20 =	simm.s32 @!p0 $0x1800  }
0x2c: {  	[tilespmem:s21], [sflag:$0x1] =	stream.strided.gather @!p0 [hbm4b:s0+s1], $0x4000, s20, s1, $0x38;
	[tilespmem:$0x10000] =	vst v63  }
0x2d: {  	p0 =	sge.u32 s31, s5  }
.Ltmp2:
0x2e: {  	_ = 	snop;
	(pc) =	sbr.rel @p0 .LBB1_7-.Ltmp2, $1  }
0x2f: {  	_ =	sdelay $0x3  }
0x30: {  	s0 =	sshll.u32 s10, $0x2;
	_ =	swait.ge [sflag:s4], $0x4000;
	s1 =	sshll.u32 s15, $0xE  }
0x31: {  	p0 =	por $0x0, $0x0;
	s26 =	simm.s32 $0x0;
	s27 =	simm.s32 $0x0  }
0x32: {  	s0 =	sand.u32 $0x10000, s0;
	[sflag:s4] =	ssyncset.done $0x0;
	s23 =	sand.u32 $0x4000, s1  }
0x33: {  	s0 =	sshrl.u32 s0, $0x2;
	[sflag:s4] =	ssyncadd.s32 $0xFFFFC000;
	s20 =	sor.u32 $0x8000, s23  }
0x34: {  	s21 =	sor.u32 $0x40, s0;
	s22 =	sor.u32 $0x8410, s0;
	s24 =	sadd.s32 $0x8400, s0  }
.LBB1_3:
0x35: {  	v1 =	vld [tilespmem:s21+$0xFFFFFFD0]  }
0x36: {  	v2 =	vld [tilespmem:s21+$0x430]  }
0x37: {  	s0 =	sshll.u32 s27, $0xB;
	v4 =	vld [tilespmem:s21+$0xFFFFFFE0]  }
0x38: {  	v7 =	vld [tilespmem:s21+$0xFFFFFFF0];
	v0 =	vmov s0  }
0x39: {  	v8 =	vld [tilespmem:s21+$0x0]  }
0x3a: {  	v9 =	vld [tilespmem:s21+$0x10];
	s0 =	sand.u32 $0x300, s25  }
0x3b: {  	s1 =	sand.u32 $0x80, s25;
	v10 =	vld [tilespmem:s21+$0x20];
	s0 =	sadd.s32 s0, s23  }
0x3c: {  	v11 =	vld [tilespmem:s21+$0x30];
	s0 =	sadd.s32 s1, s0;
	s1 =	simm.s32 $0x1;
	[tilespmem:s22+$0x60] =	vst v2  }
0x3d: {  	s1 =	simm.s32 @!p0 $0x0;
	[tilespmem:s22+$0xFFFFFC00] =	vst v1;
	v3 =	vld.idx.msk [tilespmem:v0+s0+$0x400 ss:$0x1], $0xffff;
	s0 =	sshll.u32 s26, $0x2  }
0x3e: {  	v6 =	vld [tilespmem:s21+$0x3D0];
	s1 =	sshll.u32 s1, $0x9;
	[tilespmem:s22+$0xFFFFFC10] =	vst v4;
	s0 =	sand.u32 $0xFFFFFC00, s0  }
0x3f: {  	v5 =	vld [tilespmem:s21+$0x3E0];
	[tilespmem:s22+$0xFFFFFC20] =	vst v7;
	s0 =	sor.u32 s1, s0  }
0x40: {  	[tilespmem:s22+$0xFFFFFC30] =	vst v8;
	v4 =	vld [tilespmem:s21+$0x400];
	s0 =	sshrl.u32 s0, $0x2  }
0x41: {  	[tilespmem:s22+$0xFFFFFC40] =	vst v9;
	v1 =	vld [tilespmem:s21+$0x410];
	s28 =	sadd.s32 s0, s24  }
0x42: {  	[tilespmem:s28+$0x0] =	vst v3;
	v3 =	vld [tilespmem:s21+$0x3F0]  }
0x43: {  	s31 =	simm.s32 $0x100;
	[tilespmem:s22+$0xFFFFFC50] =	vst v10;
	v2 =	vld [tilespmem:s21+$0x420];
	s1 =	simm.s32 $0x80  }
0x44: {  	s29 =	sadd.s32 $0x80, s21;
	s30 =	smov.u32 s22;
	v7 =	vld [tilespmem:s21+$0xFFFFFFC0];
	[tilespmem:s22+$0xFFFFFC60] =	vst v11;
	s0 =	sand.u32 $0x300, s1  }
.LBB1_4:
0x45: {  	p1 =	sne.s32 s31, $0x380;
	v8 =	vld [tilespmem:s29+$0xFFFFFFD0];
	s1 =	sand.u32 $0x80, s1;
	s0 =	sadd.s32 s0, s23;
	[tilespmem:s30+$0x0] =	vst v6  }
0x46: {  	s0 =	sadd.s32 s1, s0;
	v6 =	vld [tilespmem:s29+$0x430];
	[tilespmem:s30+$0x10] =	vst v5;
	s1 =	smov.u32 s31  }
0x47: {  	v5 =	vld.idx.msk [tilespmem:v0+s0+$0x400 ss:$0x1], $0xffff;
	[tilespmem:s30+$0x20] =	vst v3  }
0x48: {  	v3 =	vld [tilespmem:s29+$0xFFFFFFE0];
	[tilespmem:s30+$0x30] =	vst v4  }
0x49: {  	v4 =	vld [tilespmem:s29+$0xFFFFFFF0];
	[tilespmem:s30+$0xFFFFFBF0] =	vst v7  }
0x4a: {  	v7 =	vld [tilespmem:s29+$0x0];
	[tilespmem:s30+$0x40] =	vst v1  }
0x4b: {  	v1 =	vld [tilespmem:s29+$0x10];
	[tilespmem:s30+$0x50] =	vst v2;
	s30 =	sadd.s32 $0x800, s30  }
0x4c: {  	s28 =	sadd.s32 $0x800, s28;
	v2 =	vld [tilespmem:s29+$0x20];
	[tilespmem:s30+$0x60] =	vst v6  }
0x4d: {  	v9 =	vld [tilespmem:s29+$0x30];
	[tilespmem:s28+$0x0] =	vst v5  }
0x4e: {  	[tilespmem:s30+$0xFFFFFC00] =	vst v8;
	v6 =	vld [tilespmem:s29+$0x3D0]  }
0x4f: {  	[tilespmem:s30+$0xFFFFFC10] =	vst v3;
	v5 =	vld [tilespmem:s29+$0x3E0]  }
.Ltmp3:
0x50: {  	[tilespmem:s30+$0xFFFFFC20] =	vst v4;
	v3 =	vld [tilespmem:s29+$0x3F0];
	(pc) =	sbr.rel @p1 .LBB1_4-.Ltmp3, $4  }
0x51: {  	[tilespmem:s30+$0xFFFFFC30] =	vst v7;
	v4 =	vld [tilespmem:s29+$0x400]  }
0x52: {  	[tilespmem:s30+$0xFFFFFC40] =	vst v1;
	v1 =	vld [tilespmem:s29+$0x410]  }
0x53: {  	[tilespmem:s30+$0xFFFFFC50] =	vst v2;
	v2 =	vld [tilespmem:s29+$0x420]  }
0x54: {  	s31 =	sadd.s32 $0x80, s31;
	s0 =	sand.u32 $0x300, s1;
	v7 =	vld [tilespmem:s29+$0xFFFFFFC0];
	[tilespmem:s30+$0xFFFFFC60] =	vst v9;
	s29 =	sadd.s32 $0x80, s29  }
0x55: {  	[tilespmem:s30+$0x0] =	vst v6  }
0x56: {  	[tilespmem:s30+$0x10] =	vst v5  }
0x57: {  	v49 =	vld [tilespmem:s29+$0x430];
	[tilespmem:s30+$0x20] =	vst v3  }
0x58: {  	v50 =	vld [tilespmem:s29+$0xFFFFFFD0];
	[tilespmem:s30+$0x30] =	vst v4  }
0x59: {  	v51 =	vld [tilespmem:s29+$0xFFFFFFE0];
	[tilespmem:s30+$0x40] =	vst v1  }
0x5a: {  	v52 =	vld [tilespmem:s29+$0xFFFFFFF0];
	[tilespmem:s30+$0x50] =	vst v2  }
0x5b: {  	v53 =	vld [tilespmem:s29+$0x0];
	[tilespmem:s30+$0xFFFFFBF0] =	vst v7;
	s30 =	sadd.s32 $0x800, s30  }
0x5c: {  	v54 =	vld [tilespmem:s29+$0x10];
	[tilespmem:s30+$0x60] =	vst v49  }
0x5d: {  	v55 =	vld [tilespmem:s29+$0x20];
	[tilespmem:s30+$0xFFFFFC00] =	vst v50  }
0x5e: {  	v56 =	vld [tilespmem:s29+$0x30];
	[tilespmem:s30+$0xFFFFFC10] =	vst v51  }
0x5f: {  	v57 =	vld [tilespmem:s29+$0x3D0];
	[tilespmem:s30+$0xFFFFFC20] =	vst v52  }
0x60: {  	v58 =	vld [tilespmem:s29+$0x3E0];
	[tilespmem:s30+$0xFFFFFC30] =	vst v53  }
0x61: {  	v59 =	vld [tilespmem:s29+$0x3F0];
	[tilespmem:s30+$0xFFFFFC40] =	vst v54  }
0x62: {  	v60 =	vld [tilespmem:s29+$0x400];
	[tilespmem:s30+$0xFFFFFC50] =	vst v55  }
0x63: {  	v61 =	vld [tilespmem:s29+$0xFFFFFFC0];
	[tilespmem:s30+$0xFFFFFC60] =	vst v56  }
0x64: {  	s1 =	sand.u32 $0x80, s1;
	s0 =	sadd.s32 s0, s23;
	v62 =	vld [tilespmem:s29+$0x410];
	[tilespmem:s30+$0x0] =	vst v57  }
0x65: {  	v63 =	vld [tilespmem:s29+$0x420];
	s27 =	sadd.s32 $0x1, s27;
	s0 =	sadd.s32 s1, s0;
	[tilespmem:s30+$0x10] =	vst v58  }
0x66: {  	p1 =	sne.s32 s27, $0x8;
	v0 =	vld.idx.msk [tilespmem:v0+s0+$0x400 ss:$0x1], $0xffff;
	[tilespmem:s30+$0x20] =	vst v59  }
.Ltmp4:
0x67: {  	[tilespmem:s30+$0x30] =	vst v60;
	(pc) =	sbr.rel @p1 .LBB1_3-.Ltmp4, $4  }
0x68: {  	[tilespmem:s30+$0xFFFFFBF0] =	vst v61  }
0x69: {  	[tilespmem:s30+$0x40] =	vst v62  }
0x6a: {  	s31 =	sadd.s32 $0x800, s28;
	s21 =	sadd.s32 $0x800, s21;
	[tilespmem:s30+$0x50] =	vst v63  }
0x6b: {  	s26 =	sadd.s32 $0x80, s26;
	p0 =	por !p0, !p0;
	s22 =	sadd.s32 $0x80, s22;
	[tilespmem:s31+$0x0] =	vst v0  }
0x6c: {  	s0 =	sshrl.u32 s19, $0x3  }
0x6d: {  	s1 =	sshll.u32 s18, $0x3;
	s0 =	smul.u32 $0x1800, s0  }
0x6e: {  	s24 =	sshll.u32 s19, $0x7;
	s1 =	sand.u32 $0xFFFFFC00, s1  }
0x6f: {  	s26 =	sand.u32 $0x380, s24;
	s0 =	sadd.s32 s0, s1  }
0x70: {  	s27 =	sand.u32 $0x7F, s18;
	s0 =	sor.u32 s26, s0  }
0x71: {  	s1 =	sor.u32 s27, s0;
	s0 =	smulhi.u32 $0xAAAAAAAB, s0;
	_ =	sdelay $0x1  }
0x72: {  	s17 =	smul.u32 $0x6C000, s17;
	s0 =	sshrl.u32 s0, $0x9  }
0x73: {  	s28 =	smulhi.u32 $0x71C71D, s0  }
0x74: {  	s18 =	smulhi.u32 $0xAAAAAAAB, s1  }
0x75: {  	s19 =	smul.u32 $0x240, s28  }
0x76: {  	s16 =	smul.u32 $0xD800, s16;
	s18 =	sshrl.u32 s18, $0x9  }
0x77: {  	s18 =	smul.u32 $0x300, s18;
	s0 =	ssub.s32 s0, s19  }
0x78: {  	s0 =	smul.u32 $0x60, s0  }
.Ltmp5:
0x79: {  	s17 =	sadd.s32 s3, s17;
	s1 =	ssub.s32 s1, s18;
	(pc) =	sbr.rel .LBB1_7-.Ltmp5, $4  }
0x7a: {  	s16 =	sadd.s32 s16, s17;
	s29 =	sand.u32 $0x7, s1  }
0x7b: {  	s1 =	sshrl.u32 s1, $0x3;
	s30 =	sshll.u32 s29, $0x12;
	s0 =	sadd.s32 s0, s16  }
0x7c: {  	s31 =	sor.u32 $0x800, s30;
	s0 =	sadd.s32 s1, s0  }
0x7d: {  	[hbm4b:s0+s31] =	stream.strided.scatter [tilespmem:s20], [sflag:$0x2], $0x4000, s9, s31, $0x38;
	[tilespmem:$0x10000] =	vst v63  }
.LBB1_8:
0x7e: {  	_ =	sfence.sel $0x180000  }
0x7f: {  	s0 =	simm.s32 $0x1;
	[bflag:$0x0] =	sbarrier.arrive $0xFFFF  }
0x80: {  	s30 =	simm.s32 $0x2;
	[sflag:s0] =	ssyncpa.u1 $0x1  }
0x81: {  	[sflag:s30] =	ssyncpa.u1 $0x1  }
0x82: {  	_ =	strace $0x9000004D  }
0x83: {  	s31 =	stileid.u32;
	[bflag:$0x2] =	sbarrier.arrive $0xFFFF  }
0x84: {  	p0 =	sne.s32 s31, $0x0;
	s0 =	rddreg [dreg:$0x2]  }
0x85: {  	s0 =	sadd.s32 @!p0 $0x100000, s0  }
0x86: {  	[sflag:s0] =	ssyncadd.tile.s32 @!p0 $0x1;
	_ =	shalt  }
.Lfunc_end1:
_tile_overlayer_lowered:
.L_overlay_start_2:
0x87: {  	(tag) =	ssettag $0x2  }
0x88: {  	s0 =	rddreg [dreg:$0x0];
	s2 =	stileid.u32  }
0x89: {  	s1 =	rddreg [dreg:$0x1];
	p0 =	sne.s32 s2, $0x0  }
0x8a: {  	s3 =	rddreg [dreg:$0x2];
	[bflag:$0x3] =	sbarrier.arrive $0xFFFF;
	s2 =	simm.s32 @!p0 $0x1C01  }
0x8b: {  	[timem:s3], [sflag:s2] =	dma.local @!p0 [hbm:s0], s1  }
0x8c: {  	s0 =	simm.s32 @!p0 $0x1  }
0x8d: {  	_ =	swait.ge @!p0 [sflag:s0], s1  }
0x8e: {  	s1 =	ssub.s32 @!p0 $0x0, s1;
	[sflag:s0] =	ssyncset.done @!p0 $0x0  }
0x8f: {  	[sflag:s0] =	ssyncadd.s32 @!p0 s1  }
0x90: {  	[bflag:$0x3] =	sbarrier.arrive $0xFFFF  }
0x91: {  	_ =	shalt  }

</sc_bundles>
